<compile_context>
chip_gen: v7x
topology: tpu7x:2x2x1
jax: 0.10.2.dev20260603
libtpu: 0.0.44.dev20260713+nightly
codegen_flags: <defaults>
</compile_context>

<pallas_src>
import functools

import jax
import jax.numpy as jnp
from jax import lax
from jax.experimental import pallas as pl
from jax.experimental.pallas import tpu as pltpu
from jax.experimental.pallas import tpu_sc as plsc

B, L, D_MODEL = 1, 2048, 768
H, KV, HD = 12, 12, 64
OUT = H * HD
PBLK = 1024
BLK = 256
NBLK = L // BLK
NPBLK = L // PBLK
SCALE = 1.0 / (HD ** 0.5)

NC, NS = 2, 16
NW = NC * NS
RPW = L // NW
_SC_MESH = plsc.VectorSubcoreMesh(
    core_axis_name="c", subcore_axis_name="s",
    num_cores=NC, num_subcores=NS)


def _wid():
    return lax.axis_index("s") * NC + lax.axis_index("c")


@functools.partial(
    pl.kernel,
    out_type=[jax.ShapeDtypeStruct((L,), jnp.int32),
              jax.ShapeDtypeStruct((16,), jnp.int32)],
    mesh=_SC_MESH,
    scratch_types=[pltpu.VMEM((L,), jnp.int32),
                   pltpu.VMEM((L + 16,), jnp.int32),
                   pltpu.VMEM((16,), jnp.int32)],
    compiler_params=pltpu.CompilerParams(needs_layout_passes=False),
)
def _sc_compact(mask_hbm, perm_hbm, nact_hbm, mask_v, perm_v, nact_v):
    @pl.when(_wid() == 0)
    def _():
        pltpu.sync_copy(mask_hbm, mask_v)
        base_iota = lax.iota(jnp.int32, 16)

        def body(c, carry):
            off_a, off_i = carry
            mi = mask_v[pl.ds(c * 16, 16)]
            m = mi > 0
            idx = base_iota + c * 16
            ca = plsc.cumsum(mi)[15]
            ci = 16 - ca
            plsc.store_compressed(perm_v.at[pl.ds(off_a, 16)], idx, mask=m)
            plsc.store_compressed(perm_v.at[pl.ds(L - off_i - ci, 16)], idx,
                                  mask=jnp.logical_not(m))
            return off_a + ca, off_i + ci

        nact, _ = lax.fori_loop(0, L // 16, body,
                                (jnp.int32(0), jnp.int32(0)))
        pltpu.sync_copy(perm_v.at[pl.ds(0, L)], perm_hbm)
        nact_v[...] = jnp.full((16,), nact, jnp.int32)
        pltpu.sync_copy(nact_v, nact_hbm)


@functools.partial(
    pl.kernel,
    out_type=jax.ShapeDtypeStruct((L, OUT), jnp.float32),
    mesh=_SC_MESH,
    scratch_types=[pltpu.VMEM((RPW,), jnp.int32),
                   pltpu.VMEM((RPW, OUT), jnp.float32),
                   pltpu.SemaphoreType.DMA],
)
def _sc_gather(perm_hbm, q_hbm, qc_hbm, idx_v, rows_v, sem):
    base = _wid() * RPW
    pltpu.sync_copy(perm_hbm.at[pl.ds(base, RPW)], idx_v)
    pltpu.async_copy(q_hbm.at[idx_v], rows_v, sem).wait()
    pltpu.sync_copy(rows_v, qc_hbm.at[pl.ds(base, RPW)])


@functools.partial(
    pl.kernel,
    out_type=jax.ShapeDtypeStruct((L, OUT), jnp.float32),
    mesh=_SC_MESH,
    scratch_types=[pltpu.VMEM((RPW,), jnp.int32),
                   pltpu.VMEM((RPW, OUT), jnp.float32),
                   pltpu.SemaphoreType.DMA],
)
def _sc_scatter(perm_hbm, outc_hbm, out_hbm, idx_v, rows_v, sem):
    base = _wid() * RPW
    pltpu.sync_copy(perm_hbm.at[pl.ds(base, RPW)], idx_v)
    pltpu.sync_copy(outc_hbm.at[pl.ds(base, RPW)], rows_v)
    pltpu.async_copy(rows_v, out_hbm.at[idx_v], sem).wait()


def _rotary_cols(x, cos_c, sin_c):
    rl = jnp.concatenate([x[:, 32:], x[:, :32]], axis=1)
    rr = jnp.concatenate([x[:, -32:], x[:, :-32]], axis=1)
    lane = lax.broadcasted_iota(jnp.int32, x.shape, 1)
    first_half = (lane % HD) < (HD // 2)
    roth = jnp.where(first_half, -rl, rr)
    return x * cos_c + roth * sin_c


def _tdot(a, b):
    return lax.dot_general(a, b, (((1,), (1,)), ((), ())),
                           preferred_element_type=jnp.float32)


def _q_body(x_ref, w_ref, cos_ref, sin_ref, q_ref):
    xb = x_ref[0].astype(jnp.bfloat16)
    cos_c = jnp.concatenate([cos_ref[0]] * H, axis=1) * SCALE
    sin_c = jnp.concatenate([sin_ref[0]] * H, axis=1) * SCALE
    q = _tdot(xb, w_ref[...].astype(jnp.bfloat16))
    q_ref[...] = _rotary_cols(q, cos_c, sin_c)


def _kv_body(x_ref, wk_ref, wv_ref, cos_ref, sin_ref, k_ref, ve_ref):
    xb = x_ref[0].astype(jnp.bfloat16)
    cos_c = jnp.concatenate([cos_ref[0]] * H, axis=1)
    sin_c = jnp.concatenate([sin_ref[0]] * H, axis=1)
    k = _tdot(xb, wk_ref[...].astype(jnp.bfloat16))
    k_ref[...] = _rotary_cols(k, cos_c, sin_c).astype(jnp.bfloat16)
    v = _tdot(xb, wv_ref[...].astype(jnp.bfloat16)).astype(jnp.bfloat16)
    ones = jnp.ones((v.shape[0], HD), jnp.bfloat16)
    pieces = []
    for h in range(H):
        pieces.append(v[:, HD * h:HD * (h + 1)])
        pieces.append(ones)
    ve_ref[...] = jnp.concatenate(pieces, axis=1)


def _attn_body(n_ref, qc_ref, k_ref, ve_ref, wo_ref, out_ref, acc_ref):
    i = pl.program_id(0)
    n = n_ref[0]

    @pl.when(i * BLK < n)
    def _compute():
        qb = qc_ref[...].astype(jnp.bfloat16)
        for h in range(H):
            s = _tdot(qb[:, HD * h:HD * (h + 1)],
                      k_ref[:, HD * h:HD * (h + 1)])
            p = jnp.exp(s.astype(jnp.bfloat16))
            o2 = jnp.dot(p, ve_ref[:, 2 * HD * h:2 * HD * (h + 1)],
                         preferred_element_type=jnp.float32)
            acc_ref[:, HD * h:HD * (h + 1)] = o2[:, :HD] / o2[:, HD:HD + 1]
        ob = acc_ref[...].astype(jnp.bfloat16)
        rows = i * BLK + lax.broadcasted_iota(jnp.int32, (BLK, 1), 0)
        rmask = (rows < n).astype(jnp.float32)
        out_ref[...] = _tdot(ob, wo_ref[...]) * rmask

    @pl.when(i * BLK >= n)
    def _skip():
        out_ref[...] = jnp.zeros((BLK, OUT), jnp.float32)


@jax.jit
def kernel(cos, sin, hidden_states, active_mask, Wqkv, Wo):
    mask_i = active_mask[0].astype(jnp.int32)
    wo_b = Wo.astype(jnp.bfloat16)

    perm, nact = _sc_compact(mask_i)

    q = pl.pallas_call(
        _q_body,
        grid=(NPBLK,),
        in_specs=[
            pl.BlockSpec((1, PBLK, D_MODEL), lambda i: (0, i, 0)),
            pl.BlockSpec((OUT, D_MODEL), lambda i: (0, 0)),
            pl.BlockSpec((1, PBLK, HD), lambda i: (0, i, 0)),
            pl.BlockSpec((1, PBLK, HD), lambda i: (0, i, 0)),
        ],
        out_specs=pl.BlockSpec((PBLK, OUT), lambda i: (i, 0)),
        out_shape=jax.ShapeDtypeStruct((L, OUT), jnp.float32),
    )(hidden_states, Wqkv, cos, sin)

    qc = _sc_gather(perm, q)

    k, ve = pl.pallas_call(
        _kv_body,
        grid=(NPBLK,),
        in_specs=[
            pl.BlockSpec((1, PBLK, D_MODEL), lambda i: (0, i, 0)),
            pl.BlockSpec((OUT, D_MODEL), lambda i: (1, 0)),
            pl.BlockSpec((OUT, D_MODEL), lambda i: (2, 0)),
            pl.BlockSpec((1, PBLK, HD), lambda i: (0, i, 0)),
            pl.BlockSpec((1, PBLK, HD), lambda i: (0, i, 0)),
        ],
        out_specs=[
            pl.BlockSpec((PBLK, OUT), lambda i: (i, 0)),
            pl.BlockSpec((PBLK, 2 * OUT), lambda i: (i, 0)),
        ],
        out_shape=[
            jax.ShapeDtypeStruct((L, OUT), jnp.bfloat16),
            jax.ShapeDtypeStruct((L, 2 * OUT), jnp.bfloat16),
        ],
    )(hidden_states, Wqkv, Wqkv, cos, sin)

    outc = pl.pallas_call(
        _attn_body,
        grid_spec=pltpu.PrefetchScalarGridSpec(
            num_scalar_prefetch=1,
            grid=(NBLK,),
            in_specs=[
                pl.BlockSpec((BLK, OUT), lambda i, n: (i, 0)),
                pl.BlockSpec((L, OUT), lambda i, n: (0, 0)),
                pl.BlockSpec((L, 2 * OUT), lambda i, n: (0, 0)),
                pl.BlockSpec((OUT, OUT), lambda i, n: (0, 0)),
            ],
            out_specs=pl.BlockSpec((BLK, OUT), lambda i, n: (i, 0)),
            scratch_shapes=[pltpu.VMEM((BLK, OUT), jnp.float32)],
        ),
        out_shape=jax.ShapeDtypeStruct((L, OUT), jnp.float32),
    )(nact, qc, k, ve, wo_b)

    out = _sc_scatter(perm, outc)

    return out.reshape(B, L, OUT)

# --- scband reference (transcript-rebuilt; emitter-appended) ---
"""Pipeline reference for scband-sparse-attention-53687091200282 (READ-ONLY COPY).

The authoritative reference and input builder live on the scoring server;
editing this copy changes nothing except your own understanding.
"""

import jax, jax.numpy as jnp
import numpy as np

B, L, D_MODEL = 1, 2048, 768
H, KV, HD = 12, 12, 64
OUT = H * HD

def rotate_half(x):
    x1 = x[..., : x.shape[-1] // 2]
    x2 = x[..., x.shape[-1] // 2 :]
    return jnp.concatenate((-x2, x1), axis=-1)

def apply_rotary(q, k, cos, sin):
    # q,k: [B, L, H, HD]; cos,sin: [B, L, HD]
    c = cos[..., None, :]
    s = sin[..., None, :]
    q_e = q * c + rotate_half(q) * s
    k_e = k * c + rotate_half(k) * s
    return q_e, k_e

def setup_inputs(seed: int = 0) -> dict:
    key = jax.random.key(seed)
    k1, k2, k3, k4, k5, k6 = jax.random.split(key, 6)
    pos = jnp.arange(L, dtype=jnp.float32)
    inv_freq = 1.0 / (10000.0 ** (jnp.arange(0, HD, 2, dtype=jnp.float32) / HD))
    freqs = pos[:, None] * inv_freq[None, :]
    emb = jnp.concatenate([freqs, freqs], axis=-1)
    cos = jnp.broadcast_to(jnp.cos(emb)[None], (B, L, HD)).astype(jnp.float32)
    sin = jnp.broadcast_to(jnp.sin(emb)[None], (B, L, HD)).astype(jnp.float32)
    hidden_states = jax.random.normal(k3, (B, L, D_MODEL), dtype=jnp.float32)
    active_mask = jax.random.randint(k4, (B, L), 0, 2).astype(jnp.bool_)
    Wqkv = jax.random.normal(k5, ((H + 2 * KV) * HD, D_MODEL), dtype=jnp.float32) * (1.0 / np.sqrt(D_MODEL))
    Wo = jax.random.normal(k6, (D_MODEL, OUT), dtype=jnp.float32) * (1.0 / np.sqrt(OUT))
    return {"cos": cos, "sin": sin, "hidden_states": hidden_states, "active_mask": active_mask, "Wqkv": Wqkv, "Wo": Wo}

def reference(cos, sin, hidden_states, active_mask, Wqkv, Wo):
    # soft sparse attention mode
    qkv = hidden_states @ Wqkv.T  # [B, L, (H+2KV)*HD]
    qkv = qkv.reshape(B, L, H + 2 * KV, HD)
    q = qkv[:, :, :H]
    k = qkv[:, :, H : H + KV]
    v = qkv[:, :, H + KV :]
    q, k = apply_rotary(q, k, cos, sin)
    # gate queries by active mask
    q = q * active_mask[:, :, None, None].astype(q.dtype)
    # [B, L, H, HD] -> [B, H, L, HD]
    q = jnp.transpose(q, (0, 2, 1, 3))
    k = jnp.transpose(k, (0, 2, 1, 3))
    v = jnp.transpose(v, (0, 2, 1, 3))
    scale = 1.0 / np.sqrt(HD)
    scores = jnp.einsum("bhqd,bhkd->bhqk", q, k) * scale
    probs = jax.nn.softmax(scores, axis=-1)
    attn_out = jnp.einsum("bhqk,bhkd->bhqd", probs, v)
    attn_out = jnp.transpose(attn_out, (0, 2, 1, 3)).reshape(B, L, OUT)
    out = attn_out @ Wo.T
    out = out * active_mask[:, :, None].astype(out.dtype)
    return out

if False:  # reference __main__ guard neutralized (emitter)
    inp = setup_inputs()
    y = reference(**inp)
    print(y.shape, y.dtype)

if __name__ == "__main__":
    import jax
    _d = setup_inputs()
    print(jax.jit(kernel)(*tuple(_d.values())))

</pallas_src>

<mosaic_0001>
#map = affine_map<(d0, d1) -> (0)>
#map1 = affine_map<(d0, d1) -> (0, 0)>
module attributes {stable_mosaic.version = 14 : i64} {
  func.func @_sc_scatter(%arg0: i32, %arg1: i32, %arg2: memref<2048xi32, #tpu.memory_space<hbm>>, %arg3: memref<2048x768xf32, #tpu.memory_space<hbm>>, %arg4: memref<2048x768xf32, #tpu.memory_space<hbm>>, %arg5: memref<64xi32, #tpu.memory_space<vmem>>, %arg6: memref<64x768xf32, #tpu.memory_space<vmem>>, %arg7: memref<!tpu.dma_semaphore, #tpu.memory_space<semaphore_mem>>) attributes {dimension_semantics = [#tpu.dimension_semantics<core_parallel>, #tpu.dimension_semantics<subcore_parallel>], iteration_bounds = array<i64: 2, 16>, scalar_prefetch = 0 : i64, scratch_operands = 3 : i64, tpu.core_type = #tpu.core_type<sc_vector_subcore>, window_params = [{transform_indices = #map}, {transform_indices = #map1}, {transform_indices = #map1}]} {
    %mul3A = arith.constant 2 : i32
    %mul3A_0 = arith.muli %arg1, %mul3A : i32
    %add3A = arith.addi %mul3A_0, %arg0 : i32
    %mul3A_1 = arith.constant 64 : i32
    %mul3A_2 = arith.muli %add3A, %mul3A_1 : i32
    "tpu.region"() ({
      %run_scoped3A = tpu.sem_alloc : memref<!tpu.dma_semaphore, #tpu.memory_space<semaphore_mem>>
      %dma_start3A_7 = tpu.memref_slice %arg2[%mul3A_2] : memref<2048xi32, #tpu.memory_space<hbm>> -> memref<64xi32, #tpu.memory_space<hbm>>
      %dma_start3A_8 = tpu.memref_slice %arg2[%mul3A_2] : memref<2048xi32, #tpu.memory_space<hbm>> -> memref<64xi32, #tpu.memory_space<hbm>>
      tpu.enqueue_dma source(%dma_start3A_8 : memref<64xi32, #tpu.memory_space<hbm>>) target(%arg5 : memref<64xi32, #tpu.memory_space<vmem>>) target_semaphore(%run_scoped3A : memref<!tpu.dma_semaphore, #tpu.memory_space<semaphore_mem>>)
      %dma_wait3A_9 = tpu.memref_slice %arg2[%mul3A_2] : memref<2048xi32, #tpu.memory_space<hbm>> -> memref<64xi32, #tpu.memory_space<hbm>>
      %dma_wait3A_10 = tpu.memref_slice %arg2[%mul3A_2] : memref<2048xi32, #tpu.memory_space<hbm>> -> memref<64xi32, #tpu.memory_space<hbm>>
      tpu.wait_dma2 semaphore(%run_scoped3A : memref<!tpu.dma_semaphore, #tpu.memory_space<semaphore_mem>>) src(%dma_wait3A_10 : memref<64xi32, #tpu.memory_space<hbm>>) dst(%arg5 : memref<64xi32, #tpu.memory_space<vmem>>)
      tpu.yield
    }) : () -> ()
    "tpu.region"() ({
      %run_scoped3A = tpu.sem_alloc : memref<!tpu.dma_semaphore, #tpu.memory_space<semaphore_mem>>
      %dma_start3A_7 = arith.constant 0 : i32
      %dma_start3A_8 = tpu.memref_slice %arg3[%mul3A_2, %dma_start3A_7] : memref<2048x768xf32, #tpu.memory_space<hbm>> -> memref<64x768xf32, #tpu.memory_space<hbm>>
      %dma_start3A_9 = arith.constant 0 : i32
      %dma_start3A_10 = tpu.memref_slice %arg3[%mul3A_2, %dma_start3A_9] : memref<2048x768xf32, #tpu.memory_space<hbm>> -> memref<64x768xf32, #tpu.memory_space<hbm>>
      tpu.enqueue_dma source(%dma_start3A_10 : memref<64x768xf32, #tpu.memory_space<hbm>>) target(%arg6 : memref<64x768xf32, #tpu.memory_space<vmem>>) target_semaphore(%run_scoped3A : memref<!tpu.dma_semaphore, #tpu.memory_space<semaphore_mem>>)
      %dma_wait3A_11 = arith.constant 0 : i32
      %dma_wait3A_12 = tpu.memref_slice %arg3[%mul3A_2, %dma_wait3A_11] : memref<2048x768xf32, #tpu.memory_space<hbm>> -> memref<64x768xf32, #tpu.memory_space<hbm>>
      %dma_wait3A_13 = arith.constant 0 : i32
      %dma_wait3A_14 = tpu.memref_slice %arg3[%mul3A_2, %dma_wait3A_13] : memref<2048x768xf32, #tpu.memory_space<hbm>> -> memref<64x768xf32, #tpu.memory_space<hbm>>
      tpu.wait_dma2 semaphore(%run_scoped3A : memref<!tpu.dma_semaphore, #tpu.memory_space<semaphore_mem>>) src(%dma_wait3A_14 : memref<64x768xf32, #tpu.memory_space<hbm>>) dst(%arg6 : memref<64x768xf32, #tpu.memory_space<vmem>>)
      tpu.yield
    }) : () -> ()
    %dma_start3A = arith.constant 0 : i32
    %dma_start3A_3 = arith.constant 0 : i32
    %dma_start3A_4 = tpu.memref_slice %arg4[%dma_start3A, %dma_start3A_3] : memref<2048x768xf32, #tpu.memory_space<hbm>> -> memref<2048x768xf32, #tpu.memory_space<hbm>>
    tpu.enqueue_indirect_dma source(%arg6 : memref<64x768xf32, #tpu.memory_space<vmem>>) target(%dma_start3A_4 : memref<2048x768xf32, #tpu.memory_space<hbm>>) offsets(%arg5 : memref<64xi32, #tpu.memory_space<vmem>>) semaphore(%arg7 : memref<!tpu.dma_semaphore, #tpu.memory_space<semaphore_mem>>)
    %dma_wait3A = arith.constant 0 : i32
    %dma_wait3A_5 = arith.constant 0 : i32
    %dma_wait3A_6 = tpu.memref_slice %arg4[%dma_wait3A, %dma_wait3A_5] : memref<2048x768xf32, #tpu.memory_space<hbm>> -> memref<2048x768xf32, #tpu.memory_space<hbm>>
    tpu.wait_indirect_dma semaphore(%arg7 : memref<!tpu.dma_semaphore, #tpu.memory_space<semaphore_mem>>) src(%arg6 : memref<64x768xf32, #tpu.memory_space<vmem>>) dst(%dma_wait3A_6 : memref<2048x768xf32, #tpu.memory_space<hbm>>)
    return
  }
}

#map = affine_map<(d0, d1) -> (0)>
#map1 = affine_map<(d0, d1) -> (0, 0)>
module attributes {stable_mosaic.version = 14 : i64} {
  func.func @_sc_gather(%arg0: i32, %arg1: i32, %arg2: memref<2048xi32, #tpu.memory_space<hbm>>, %arg3: memref<2048x768xf32, #tpu.memory_space<hbm>>, %arg4: memref<2048x768xf32, #tpu.memory_space<hbm>>, %arg5: memref<64xi32, #tpu.memory_space<vmem>>, %arg6: memref<64x768xf32, #tpu.memory_space<vmem>>, %arg7: memref<!tpu.dma_semaphore, #tpu.memory_space<semaphore_mem>>) attributes {dimension_semantics = [#tpu.dimension_semantics<core_parallel>, #tpu.dimension_semantics<subcore_parallel>], iteration_bounds = array<i64: 2, 16>, scalar_prefetch = 0 : i64, scratch_operands = 3 : i64, tpu.core_type = #tpu.core_type<sc_vector_subcore>, window_params = [{transform_indices = #map}, {transform_indices = #map1}, {transform_indices = #map1}]} {
    %mul3A = arith.constant 2 : i32
    %mul3A_0 = arith.muli %arg1, %mul3A : i32
    %add3A = arith.addi %mul3A_0, %arg0 : i32
    %mul3A_1 = arith.constant 64 : i32
    %mul3A_2 = arith.muli %add3A, %mul3A_1 : i32
    "tpu.region"() ({
      %run_scoped3A = tpu.sem_alloc : memref<!tpu.dma_semaphore, #tpu.memory_space<semaphore_mem>>
      %dma_start3A_7 = tpu.memref_slice %arg2[%mul3A_2] : memref<2048xi32, #tpu.memory_space<hbm>> -> memref<64xi32, #tpu.memory_space<hbm>>
      %dma_start3A_8 = tpu.memref_slice %arg2[%mul3A_2] : memref<2048xi32, #tpu.memory_space<hbm>> -> memref<64xi32, #tpu.memory_space<hbm>>
      tpu.enqueue_dma source(%dma_start3A_8 : memref<64xi32, #tpu.memory_space<hbm>>) target(%arg5 : memref<64xi32, #tpu.memory_space<vmem>>) target_semaphore(%run_scoped3A : memref<!tpu.dma_semaphore, #tpu.memory_space<semaphore_mem>>)
      %dma_wait3A_9 = tpu.memref_slice %arg2[%mul3A_2] : memref<2048xi32, #tpu.memory_space<hbm>> -> memref<64xi32, #tpu.memory_space<hbm>>
      %dma_wait3A_10 = tpu.memref_slice %arg2[%mul3A_2] : memref<2048xi32, #tpu.memory_space<hbm>> -> memref<64xi32, #tpu.memory_space<hbm>>
      tpu.wait_dma2 semaphore(%run_scoped3A : memref<!tpu.dma_semaphore, #tpu.memory_space<semaphore_mem>>) src(%dma_wait3A_10 : memref<64xi32, #tpu.memory_space<hbm>>) dst(%arg5 : memref<64xi32, #tpu.memory_space<vmem>>)
      tpu.yield
    }) : () -> ()
    %dma_start3A = arith.constant 0 : i32
    %dma_start3A_3 = arith.constant 0 : i32
    %dma_start3A_4 = tpu.memref_slice %arg3[%dma_start3A, %dma_start3A_3] : memref<2048x768xf32, #tpu.memory_space<hbm>> -> memref<2048x768xf32, #tpu.memory_space<hbm>>
    tpu.enqueue_indirect_dma source(%dma_start3A_4 : memref<2048x768xf32, #tpu.memory_space<hbm>>) target(%arg6 : memref<64x768xf32, #tpu.memory_space<vmem>>) offsets(%arg5 : memref<64xi32, #tpu.memory_space<vmem>>) semaphore(%arg7 : memref<!tpu.dma_semaphore, #tpu.memory_space<semaphore_mem>>)
    %dma_wait3A = arith.constant 0 : i32
    %dma_wait3A_5 = arith.constant 0 : i32
    %dma_wait3A_6 = tpu.memref_slice %arg3[%dma_wait3A, %dma_wait3A_5] : memref<2048x768xf32, #tpu.memory_space<hbm>> -> memref<2048x768xf32, #tpu.memory_space<hbm>>
    tpu.wait_indirect_dma semaphore(%arg7 : memref<!tpu.dma_semaphore, #tpu.memory_space<semaphore_mem>>) src(%dma_wait3A_6 : memref<2048x768xf32, #tpu.memory_space<hbm>>) dst(%arg6 : memref<64x768xf32, #tpu.memory_space<vmem>>)
    "tpu.region"() ({
      %run_scoped3A = tpu.sem_alloc : memref<!tpu.dma_semaphore, #tpu.memory_space<semaphore_mem>>
      %dma_start3A_7 = arith.constant 0 : i32
      %dma_start3A_8 = tpu.memref_slice %arg4[%mul3A_2, %dma_start3A_7] : memref<2048x768xf32, #tpu.memory_space<hbm>> -> memref<64x768xf32, #tpu.memory_space<hbm>>
      %dma_start3A_9 = arith.constant 0 : i32
      %dma_start3A_10 = tpu.memref_slice %arg4[%mul3A_2, %dma_start3A_9] : memref<2048x768xf32, #tpu.memory_space<hbm>> -> memref<64x768xf32, #tpu.memory_space<hbm>>
      tpu.enqueue_dma source(%arg6 : memref<64x768xf32, #tpu.memory_space<vmem>>) target(%dma_start3A_10 : memref<64x768xf32, #tpu.memory_space<hbm>>) target_semaphore(%run_scoped3A : memref<!tpu.dma_semaphore, #tpu.memory_space<semaphore_mem>>)
      %dma_wait3A_11 = arith.constant 0 : i32
      %dma_wait3A_12 = tpu.memref_slice %arg4[%mul3A_2, %dma_wait3A_11] : memref<2048x768xf32, #tpu.memory_space<hbm>> -> memref<64x768xf32, #tpu.memory_space<hbm>>
      %dma_wait3A_13 = arith.constant 0 : i32
      %dma_wait3A_14 = tpu.memref_slice %arg4[%mul3A_2, %dma_wait3A_13] : memref<2048x768xf32, #tpu.memory_space<hbm>> -> memref<64x768xf32, #tpu.memory_space<hbm>>
      tpu.wait_dma2 semaphore(%run_scoped3A : memref<!tpu.dma_semaphore, #tpu.memory_space<semaphore_mem>>) src(%arg6 : memref<64x768xf32, #tpu.memory_space<vmem>>) dst(%dma_wait3A_14 : memref<64x768xf32, #tpu.memory_space<hbm>>)
      tpu.yield
    }) : () -> ()
    return
  }
}

#map = affine_map<(d0, d1) -> (0)>
module attributes {stable_mosaic.version = 14 : i64} {
  func.func @_sc_compact(%arg0: i32, %arg1: i32, %arg2: memref<2048xi32, #tpu.memory_space<hbm>>, %arg3: memref<2048xi32, #tpu.memory_space<hbm>>, %arg4: memref<16xi32, #tpu.memory_space<hbm>>, %arg5: memref<2048xi32, #tpu.memory_space<vmem>>, %arg6: memref<2064xi32, #tpu.memory_space<vmem>>, %arg7: memref<16xi32, #tpu.memory_space<vmem>>) attributes {dimension_semantics = [#tpu.dimension_semantics<core_parallel>, #tpu.dimension_semantics<subcore_parallel>], iteration_bounds = array<i64: 2, 16>, scalar_prefetch = 0 : i64, scratch_operands = 3 : i64, tpu.core_type = #tpu.core_type<sc_vector_subcore>, window_params = [{transform_indices = #map}, {transform_indices = #map}, {transform_indices = #map}]} {
    %mul3A = arith.constant 2 : i32
    %mul3A_0 = arith.muli %arg1, %mul3A : i32
    %add3A = arith.addi %mul3A_0, %arg0 : i32
    %eq3A = arith.constant 0 : i32
    %eq3A_1 = arith.cmpi eq, %add3A, %eq3A : i32
    %convert_element_type3A = arith.extui %eq3A_1 : i1 to i32
    %cond3A = arith.constant 0 : i32
    %cond3A_2 = arith.cmpi ne, %convert_element_type3A, %cond3A : i32
    scf.if %cond3A_2 {
      "tpu.region"() ({
        %run_scoped3A = tpu.sem_alloc : memref<!tpu.dma_semaphore, #tpu.memory_space<semaphore_mem>>
        tpu.enqueue_dma source(%arg2 : memref<2048xi32, #tpu.memory_space<hbm>>) target(%arg5 : memref<2048xi32, #tpu.memory_space<vmem>>) target_semaphore(%run_scoped3A : memref<!tpu.dma_semaphore, #tpu.memory_space<semaphore_mem>>)
        tpu.wait_dma2 semaphore(%run_scoped3A : memref<!tpu.dma_semaphore, #tpu.memory_space<semaphore_mem>>) src(%arg2 : memref<2048xi32, #tpu.memory_space<hbm>>) dst(%arg5 : memref<2048xi32, #tpu.memory_space<vmem>>)
        tpu.yield
      }) : () -> ()
      %iota3A = tpu.iota {dimensions = array<i32: 0>} : vector<16xi32>
      %scan3A = arith.constant 0 : i32
      %scan3A_3 = arith.constant 0 : i32
      %scan3A_4 = arith.constant 0 : i32
      %scan3A_5 = arith.constant 128 : i32
      %scan3A_6 = arith.addi %scan3A_4, %scan3A_5 : i32
      %scan3A_7 = arith.constant 1 : i32
      %scan3A_8:2 = scf.for %scan3A_11 = %scan3A_4 to %scan3A_6 step %scan3A_7 iter_args(%scan3A_12 = %scan3A, %scan3A_13 = %scan3A_3) -> (i32, i32)  : i32 {
        %mul3A_14 = arith.constant 16 : i32
        %mul3A_15 = arith.muli %scan3A_11, %mul3A_14 : i32
        %get3A = arith.index_cast %mul3A_15 : i32 to index
        %get3A_16 = tpu.vector_load %arg5[%get3A] {strides = array<i32>} : memref<2048xi32, #tpu.memory_space<vmem>>, vector<16xi32>,
        %gt3A = arith.constant 0 : i32
        %gt3A_17 = vector.broadcast %gt3A : i32 to vector<16xi32>
        %gt3A_18 = arith.cmpi sgt, %get3A_16, %gt3A_17 : vector<16xi32>
        %mul3A_19 = arith.constant 16 : i32
        %mul3A_20 = arith.muli %scan3A_11, %mul3A_19 : i32
        %add3A_21 = vector.broadcast %mul3A_20 : i32 to vector<16xi32>
        %add3A_22 = arith.addi %iota3A, %add3A_21 : vector<16xi32>
        %broadcast_in_dim3A_23 = arith.constant true
        %broadcast_in_dim3A_24 = vector.broadcast %broadcast_in_dim3A_23 : i1 to vector<16xi1>
        %masked_cumsum3A = tpu.scan <sum>, %get3A_16 masked %broadcast_in_dim3A_24 : vector<16xi32>, vector<16xi1> -> vector<16xi32>
        %slice3A = vector.extract_strided_slice %masked_cumsum3A {offsets = [15], sizes = [1], strides = [1]} : vector<16xi32> to vector<1xi32>
        %squeeze3A = vector.extract %slice3A[0] : i32 from vector<1xi32>
        %sub3A = arith.constant 16 : i32
        %sub3A_25 = arith.subi %sub3A, %squeeze3A : i32
        %swap3A_26 = arith.index_cast %scan3A_12 : i32 to index
        %swap3A_27 = tpu.vector_load %arg6[%swap3A_26] masked %gt3A_18 {strides = array<i32>} : memref<2064xi32, #tpu.memory_space<vmem>>, vector<16xi32>, vector<16xi1>
        tpu.vector_store %arg6[%swap3A_26], %add3A_22 masked %gt3A_18 {strides = array<i32>} : memref<2064xi32, #tpu.memory_space<vmem>>, vector<16xi32>, vector<16xi1>
        %sub3A_28 = arith.constant 2048 : i32
        %sub3A_29 = arith.subi %sub3A_28, %scan3A_13 : i32
        %sub3A_30 = arith.subi %sub3A_29, %sub3A_25 : i32
        %not3A = arith.constant dense<true> : vector<16xi1>
        %not3A_31 = arith.xori %gt3A_18, %not3A : vector<16xi1>
        %swap3A_32 = arith.index_cast %sub3A_30 : i32 to index
        %swap3A_33 = tpu.vector_load %arg6[%swap3A_32] masked %not3A_31 {strides = array<i32>} : memref<2064xi32, #tpu.memory_space<vmem>>, vector<16xi32>, vector<16xi1>
        tpu.vector_store %arg6[%swap3A_32], %add3A_22 masked %not3A_31 {strides = array<i32>} : memref<2064xi32, #tpu.memory_space<vmem>>, vector<16xi32>, vector<16xi1>
        %add3A_34 = arith.addi %scan3A_12, %squeeze3A : i32
        %add3A_35 = arith.addi %scan3A_13, %sub3A_25 : i32
        scf.yield %add3A_34, %add3A_35 : i32, i32
      }
      %scan3A_9 = arith.constant 128 : i32
      "tpu.region"() ({
        %run_scoped3A = tpu.sem_alloc : memref<!tpu.dma_semaphore, #tpu.memory_space<semaphore_mem>>
        %dma_start3A = arith.constant 0 : i32
        %dma_start3A_11 = tpu.memref_slice %arg6[%dma_start3A] : memref<2064xi32, #tpu.memory_space<vmem>> -> memref<2048xi32, #tpu.memory_space<vmem>>
        %dma_start3A_12 = arith.constant 0 : i32
        %dma_start3A_13 = tpu.memref_slice %arg6[%dma_start3A_12] : memref<2064xi32, #tpu.memory_space<vmem>> -> memref<2048xi32, #tpu.memory_space<vmem>>
        tpu.enqueue_dma source(%dma_start3A_13 : memref<2048xi32, #tpu.memory_space<vmem>>) target(%arg3 : memref<2048xi32, #tpu.memory_space<hbm>>) target_semaphore(%run_scoped3A : memref<!tpu.dma_semaphore, #tpu.memory_space<semaphore_mem>>)
        %dma_wait3A = arith.constant 0 : i32
        %dma_wait3A_14 = tpu.memref_slice %arg6[%dma_wait3A] : memref<2064xi32, #tpu.memory_space<vmem>> -> memref<2048xi32, #tpu.memory_space<vmem>>
        %dma_wait3A_15 = arith.constant 0 : i32
        %dma_wait3A_16 = tpu.memref_slice %arg6[%dma_wait3A_15] : memref<2064xi32, #tpu.memory_space<vmem>> -> memref<2048xi32, #tpu.memory_space<vmem>>
        tpu.wait_dma2 semaphore(%run_scoped3A : memref<!tpu.dma_semaphore, #tpu.memory_space<semaphore_mem>>) src(%dma_wait3A_16 : memref<2048xi32, #tpu.memory_space<vmem>>) dst(%arg3 : memref<2048xi32, #tpu.memory_space<hbm>>)
        tpu.yield
      }) : () -> ()
      %broadcast_in_dim3A = vector.broadcast %scan3A_8#0 : i32 to vector<16xi32>
      %swap3A = arith.constant 0 : index
      %swap3A_10 = tpu.vector_load %arg7[%swap3A] {strides = array<i32>} : memref<16xi32, #tpu.memory_space<vmem>>, vector<16xi32>,
      tpu.vector_store %arg7[%swap3A], %broadcast_in_dim3A {strides = array<i32>} : memref<16xi32, #tpu.memory_space<vmem>>, vector<16xi32>,
      "tpu.region"() ({
        %run_scoped3A = tpu.sem_alloc : memref<!tpu.dma_semaphore, #tpu.memory_space<semaphore_mem>>
        tpu.enqueue_dma source(%arg7 : memref<16xi32, #tpu.memory_space<vmem>>) target(%arg4 : memref<16xi32, #tpu.memory_space<hbm>>) target_semaphore(%run_scoped3A : memref<!tpu.dma_semaphore, #tpu.memory_space<semaphore_mem>>)
        tpu.wait_dma2 semaphore(%run_scoped3A : memref<!tpu.dma_semaphore, #tpu.memory_space<semaphore_mem>>) src(%arg7 : memref<16xi32, #tpu.memory_space<vmem>>) dst(%arg4 : memref<16xi32, #tpu.memory_space<hbm>>)
        tpu.yield
      }) : () -> ()
    } else {
    }
    return
  }
}

module attributes {stable_mosaic.version = 14 : i64} {
  func.func @_q_body(%arg0: i32, %arg1: memref<1x1024x768xf32, #tpu.memory_space<vmem>>, %arg2: memref<768x768xf32, #tpu.memory_space<vmem>>, %arg3: memref<1x1024x64xf32, #tpu.memory_space<vmem>>, %arg4: memref<1x1024x64xf32, #tpu.memory_space<vmem>>, %arg5: memref<1024x768xf32, #tpu.memory_space<vmem>>) attributes {dimension_semantics = [#tpu.dimension_semantics<arbitrary>], iteration_bounds = array<i64: 2>, scalar_prefetch = 0 : i64, scratch_operands = 0 : i64, tpu.core_type = #tpu.core_type<tc>, window_params = [{transform_indices = @transform_0, window_bounds = array<i64: 1, 1024, 768>}, {transform_indices = @transform_1, window_bounds = array<i64: 768, 768>}, {transform_indices = @transform_2, window_bounds = array<i64: 1, 1024, 64>}, {transform_indices = @transform_3, window_bounds = array<i64: 1, 1024, 64>}, {transform_indices = @transform_4, window_bounds = array<i64: 1024, 768>}]} {
    %get3A = arith.constant 0 : index
    %get3A_0 = arith.constant 0 : index
    %get3A_1 = arith.constant 0 : index
    %get3A_2 = vector.load %arg1[%get3A, %get3A_0, %get3A_1] : memref<1x1024x768xf32, #tpu.memory_space<vmem>>, vector<1x1024x768xf32>
    %get3A_3 = vector.shape_cast %get3A_2 : vector<1x1024x768xf32> to vector<1024x768xf32>
    %convert_element_type3A = arith.truncf %get3A_3 : vector<1024x768xf32> to vector<1024x768xbf16>
    %get3A_4 = arith.constant 0 : index
    %get3A_5 = arith.constant 0 : index
    %get3A_6 = arith.constant 0 : index
    %get3A_7 = vector.load %arg3[%get3A_4, %get3A_5, %get3A_6] : memref<1x1024x64xf32, #tpu.memory_space<vmem>>, vector<1x1024x64xf32>
    %get3A_8 = vector.shape_cast %get3A_7 : vector<1x1024x64xf32> to vector<1024x64xf32>
    %concatenate3A = tpu.concatenate %get3A_8, %get3A_8, %get3A_8, %get3A_8, %get3A_8, %get3A_8, %get3A_8, %get3A_8, %get3A_8, %get3A_8, %get3A_8, %get3A_8 in 1 : vector<1024x64xf32>, vector<1024x64xf32>, vector<1024x64xf32>, vector<1024x64xf32>, vector<1024x64xf32>, vector<1024x64xf32>, vector<1024x64xf32>, vector<1024x64xf32>, vector<1024x64xf32>, vector<1024x64xf32>, vector<1024x64xf32>, vector<1024x64xf32> -> vector<1024x768xf32>
    %mul3A = arith.constant 1.250000e-01 : f32
    %mul3A_9 = vector.broadcast %mul3A : f32 to vector<1024x768xf32>
    %mul3A_10 = arith.mulf %concatenate3A, %mul3A_9 : vector<1024x768xf32>
    %get3A_11 = arith.constant 0 : index
    %get3A_12 = arith.constant 0 : index
    %get3A_13 = arith.constant 0 : index
    %get3A_14 = vector.load %arg4[%get3A_11, %get3A_12, %get3A_13] : memref<1x1024x64xf32, #tpu.memory_space<vmem>>, vector<1x1024x64xf32>
    %get3A_15 = vector.shape_cast %get3A_14 : vector<1x1024x64xf32> to vector<1024x64xf32>
    %concatenate3A_16 = tpu.concatenate %get3A_15, %get3A_15, %get3A_15, %get3A_15, %get3A_15, %get3A_15, %get3A_15, %get3A_15, %get3A_15, %get3A_15, %get3A_15, %get3A_15 in 1 : vector<1024x64xf32>, vector<1024x64xf32>, vector<1024x64xf32>, vector<1024x64xf32>, vector<1024x64xf32>, vector<1024x64xf32>, vector<1024x64xf32>, vector<1024x64xf32>, vector<1024x64xf32>, vector<1024x64xf32>, vector<1024x64xf32>, vector<1024x64xf32> -> vector<1024x768xf32>
    %mul3A_17 = arith.constant 1.250000e-01 : f32
    %mul3A_18 = vector.broadcast %mul3A_17 : f32 to vector<1024x768xf32>
    %mul3A_19 = arith.mulf %concatenate3A_16, %mul3A_18 : vector<1024x768xf32>
    %get3A_20 = arith.constant 0 : index
    %get3A_21 = arith.constant 0 : index
    %get3A_22 = vector.load %arg2[%get3A_20, %get3A_21] : memref<768x768xf32, #tpu.memory_space<vmem>>, vector<768x768xf32>
    %convert_element_type3A_23 = arith.truncf %get3A_22 : vector<768x768xf32> to vector<768x768xbf16>
    %dot_general3A = arith.constant dense<0.000000e+00> : vector<1024x768xf32>
    %dot_general3A_24 = tpu.matmul %convert_element_type3A, %convert_element_type3A_23, %dot_general3A {dimension_numbers = #tpu.dot_dimension_numbers<[1], [1], [0], [0], [0, 0, 1, 0], [], []>, transpose_lhs_hint = false} : vector<1024x768xbf16>, vector<768x768xbf16>, vector<1024x768xf32> -> vector<1024x768xf32>
    %slice3A = vector.extract_strided_slice %dot_general3A_24 {offsets = [0, 32], sizes = [1024, 736], strides = [1, 1]} : vector<1024x768xf32> to vector<1024x736xf32>
    %slice3A_25 = vector.extract_strided_slice %dot_general3A_24 {offsets = [0, 0], sizes = [1024, 32], strides = [1, 1]} : vector<1024x768xf32> to vector<1024x32xf32>
    %concatenate3A_26 = tpu.concatenate %slice3A, %slice3A_25 in 1 : vector<1024x736xf32>, vector<1024x32xf32> -> vector<1024x768xf32>
    %slice3A_27 = vector.extract_strided_slice %dot_general3A_24 {offsets = [0, 736], sizes = [1024, 32], strides = [1, 1]} : vector<1024x768xf32> to vector<1024x32xf32>
    %slice3A_28 = vector.extract_strided_slice %dot_general3A_24 {offsets = [0, 0], sizes = [1024, 736], strides = [1, 1]} : vector<1024x768xf32> to vector<1024x736xf32>
    %concatenate3A_29 = tpu.concatenate %slice3A_27, %slice3A_28 in 1 : vector<1024x32xf32>, vector<1024x736xf32> -> vector<1024x768xf32>
    %iota3A = tpu.iota {dimensions = array<i32: 1>} : vector<1024x768xi32>
    %jit3A = arith.constant 64 : i32
    %eq3A = arith.constant 0 : i32
    %eq3A_30 = arith.cmpi eq, %jit3A, %eq3A : i32
    %jit3A_31 = arith.constant 1 : i32
    %select_n3A = arith.select %eq3A_30, %jit3A_31, %jit3A : i32
    %rem3A = vector.broadcast %select_n3A : i32 to vector<1024x768xi32>
    %rem3A_32 = arith.remsi %iota3A, %rem3A : vector<1024x768xi32>
    %ne3A = arith.constant 0 : i32
    %ne3A_33 = vector.broadcast %ne3A : i32 to vector<1024x768xi32>
    %ne3A_34 = arith.cmpi ne, %rem3A_32, %ne3A_33 : vector<1024x768xi32>
    %lt3A = arith.constant 0 : i32
    %lt3A_35 = vector.broadcast %lt3A : i32 to vector<1024x768xi32>
    %lt3A_36 = arith.cmpi slt, %rem3A_32, %lt3A_35 : vector<1024x768xi32>
    %lt3A_37 = arith.constant 0 : i32
    %lt3A_38 = arith.cmpi slt, %select_n3A, %lt3A_37 : i32
    %ne3A_39 = vector.broadcast %lt3A_38 : i1 to vector<1024x768xi1>
    %ne3A_40 = vector.broadcast %ne3A_39 : vector<1024x768xi1> to vector<1024x768xi1>
    %ne3A_41 = arith.xori %lt3A_36, %ne3A_40 : vector<1024x768xi1>
    %and3A = arith.andi %ne3A_41, %ne3A_34 : vector<1024x768xi1>
    %add3A = vector.broadcast %select_n3A : i32 to vector<1024x768xi32>
    %add3A_42 = arith.addi %rem3A_32, %add3A : vector<1024x768xi32>
    %select_n3A_43 = arith.select %and3A, %add3A_42, %rem3A_32 : vector<1024x768xi1>, vector<1024x768xi32>
    %lt3A_44 = arith.constant 32 : i32
    %lt3A_45 = vector.broadcast %lt3A_44 : i32 to vector<1024x768xi32>
    %lt3A_46 = arith.cmpi slt, %select_n3A_43, %lt3A_45 : vector<1024x768xi32>
    %neg3A = arith.constant 0.000000e+00 : f32
    %neg3A_47 = vector.broadcast %neg3A : f32 to vector<1024x768xf32>
    %neg3A_48 = arith.subf %neg3A_47, %concatenate3A_26 : vector<1024x768xf32>
    %select_n3A_49 = arith.select %lt3A_46, %neg3A_48, %concatenate3A_29 : vector<1024x768xi1>, vector<1024x768xf32>
    %mul3A_50 = arith.mulf %dot_general3A_24, %mul3A_10 : vector<1024x768xf32>
    %mul3A_51 = arith.mulf %select_n3A_49, %mul3A_19 : vector<1024x768xf32>
    %add3A_52 = arith.addf %mul3A_50, %mul3A_51 : vector<1024x768xf32>
    %swap3A = arith.constant 0 : index
    %swap3A_53 = arith.constant 0 : index
    %swap3A_54 = vector.load %arg5[%swap3A, %swap3A_53] : memref<1024x768xf32, #tpu.memory_space<vmem>>, vector<1024x768xf32>
    tpu.vector_store %arg5[%swap3A, %swap3A_53], %add3A_52 {strides = array<i32>} : memref<1024x768xf32, #tpu.memory_space<vmem>>, vector<1024x768xf32>,
    return
  }
  func.func @transform_0(%arg0: i32) -> (i32, i32, i32) {
    %c0_i32 = arith.constant 0 : i32
    %c0_i32_0 = arith.constant 0 : i32
    %c0_i32_1 = arith.constant 0 : i32
    return %c0_i32, %arg0, %c0_i32_0 : i32, i32, i32
  }
  func.func @transform_1(%arg0: i32) -> (i32, i32) {
    %c0_i32 = arith.constant 0 : i32
    %c0_i32_0 = arith.constant 0 : i32
    %c0_i32_1 = arith.constant 0 : i32
    return %c0_i32, %c0_i32_0 : i32, i32
  }
  func.func @transform_2(%arg0: i32) -> (i32, i32, i32) {
    %c0_i32 = arith.constant 0 : i32
    %c0_i32_0 = arith.constant 0 : i32
    %c0_i32_1 = arith.constant 0 : i32
    return %c0_i32, %arg0, %c0_i32_0 : i32, i32, i32
  }
  func.func @transform_3(%arg0: i32) -> (i32, i32, i32) {
    %c0_i32 = arith.constant 0 : i32
    %c0_i32_0 = arith.constant 0 : i32
    %c0_i32_1 = arith.constant 0 : i32
    return %c0_i32, %arg0, %c0_i32_0 : i32, i32, i32
  }
  func.func @transform_4(%arg0: i32) -> (i32, i32) {
    %c0_i32 = arith.constant 0 : i32
    %c0_i32_0 = arith.constant 0 : i32
    return %arg0, %c0_i32 : i32, i32
  }
}

module attributes {stable_mosaic.version = 14 : i64} {
  func.func @_kv_body(%arg0: i32, %arg1: memref<1x1024x768xf32, #tpu.memory_space<vmem>>, %arg2: memref<768x768xf32, #tpu.memory_space<vmem>>, %arg3: memref<768x768xf32, #tpu.memory_space<vmem>>, %arg4: memref<1x1024x64xf32, #tpu.memory_space<vmem>>, %arg5: memref<1x1024x64xf32, #tpu.memory_space<vmem>>, %arg6: memref<1024x768xbf16, #tpu.memory_space<vmem>>, %arg7: memref<1024x1536xbf16, #tpu.memory_space<vmem>>) attributes {dimension_semantics = [#tpu.dimension_semantics<arbitrary>], iteration_bounds = array<i64: 2>, scalar_prefetch = 0 : i64, scratch_operands = 0 : i64, tpu.core_type = #tpu.core_type<tc>, window_params = [{transform_indices = @transform_0, window_bounds = array<i64: 1, 1024, 768>}, {transform_indices = @transform_1, window_bounds = array<i64: 768, 768>}, {transform_indices = @transform_2, window_bounds = array<i64: 768, 768>}, {transform_indices = @transform_3, window_bounds = array<i64: 1, 1024, 64>}, {transform_indices = @transform_4, window_bounds = array<i64: 1, 1024, 64>}, {transform_indices = @transform_5, window_bounds = array<i64: 1024, 768>}, {transform_indices = @transform_6, window_bounds = array<i64: 1024, 1536>}]} {
    %get3A = arith.constant 0 : index
    %get3A_0 = arith.constant 0 : index
    %get3A_1 = arith.constant 0 : index
    %get3A_2 = vector.load %arg1[%get3A, %get3A_0, %get3A_1] : memref<1x1024x768xf32, #tpu.memory_space<vmem>>, vector<1x1024x768xf32>
    %get3A_3 = vector.shape_cast %get3A_2 : vector<1x1024x768xf32> to vector<1024x768xf32>
    %convert_element_type3A = arith.truncf %get3A_3 : vector<1024x768xf32> to vector<1024x768xbf16>
    %get3A_4 = arith.constant 0 : index
    %get3A_5 = arith.constant 0 : index
    %get3A_6 = arith.constant 0 : index
    %get3A_7 = vector.load %arg4[%get3A_4, %get3A_5, %get3A_6] : memref<1x1024x64xf32, #tpu.memory_space<vmem>>, vector<1x1024x64xf32>
    %get3A_8 = vector.shape_cast %get3A_7 : vector<1x1024x64xf32> to vector<1024x64xf32>
    %concatenate3A = tpu.concatenate %get3A_8, %get3A_8, %get3A_8, %get3A_8, %get3A_8, %get3A_8, %get3A_8, %get3A_8, %get3A_8, %get3A_8, %get3A_8, %get3A_8 in 1 : vector<1024x64xf32>, vector<1024x64xf32>, vector<1024x64xf32>, vector<1024x64xf32>, vector<1024x64xf32>, vector<1024x64xf32>, vector<1024x64xf32>, vector<1024x64xf32>, vector<1024x64xf32>, vector<1024x64xf32>, vector<1024x64xf32>, vector<1024x64xf32> -> vector<1024x768xf32>
    %get3A_9 = arith.constant 0 : index
    %get3A_10 = arith.constant 0 : index
    %get3A_11 = arith.constant 0 : index
    %get3A_12 = vector.load %arg5[%get3A_9, %get3A_10, %get3A_11] : memref<1x1024x64xf32, #tpu.memory_space<vmem>>, vector<1x1024x64xf32>
    %get3A_13 = vector.shape_cast %get3A_12 : vector<1x1024x64xf32> to vector<1024x64xf32>
    %concatenate3A_14 = tpu.concatenate %get3A_13, %get3A_13, %get3A_13, %get3A_13, %get3A_13, %get3A_13, %get3A_13, %get3A_13, %get3A_13, %get3A_13, %get3A_13, %get3A_13 in 1 : vector<1024x64xf32>, vector<1024x64xf32>, vector<1024x64xf32>, vector<1024x64xf32>, vector<1024x64xf32>, vector<1024x64xf32>, vector<1024x64xf32>, vector<1024x64xf32>, vector<1024x64xf32>, vector<1024x64xf32>, vector<1024x64xf32>, vector<1024x64xf32> -> vector<1024x768xf32>
    %get3A_15 = arith.constant 0 : index
    %get3A_16 = arith.constant 0 : index
    %get3A_17 = vector.load %arg2[%get3A_15, %get3A_16] : memref<768x768xf32, #tpu.memory_space<vmem>>, vector<768x768xf32>
    %convert_element_type3A_18 = arith.truncf %get3A_17 : vector<768x768xf32> to vector<768x768xbf16>
    %dot_general3A = arith.constant dense<0.000000e+00> : vector<1024x768xf32>
    %dot_general3A_19 = tpu.matmul %convert_element_type3A, %convert_element_type3A_18, %dot_general3A {dimension_numbers = #tpu.dot_dimension_numbers<[1], [1], [0], [0], [0, 0, 1, 0], [], []>, transpose_lhs_hint = false} : vector<1024x768xbf16>, vector<768x768xbf16>, vector<1024x768xf32> -> vector<1024x768xf32>
    %slice3A = vector.extract_strided_slice %dot_general3A_19 {offsets = [0, 32], sizes = [1024, 736], strides = [1, 1]} : vector<1024x768xf32> to vector<1024x736xf32>
    %slice3A_20 = vector.extract_strided_slice %dot_general3A_19 {offsets = [0, 0], sizes = [1024, 32], strides = [1, 1]} : vector<1024x768xf32> to vector<1024x32xf32>
    %concatenate3A_21 = tpu.concatenate %slice3A, %slice3A_20 in 1 : vector<1024x736xf32>, vector<1024x32xf32> -> vector<1024x768xf32>
    %slice3A_22 = vector.extract_strided_slice %dot_general3A_19 {offsets = [0, 736], sizes = [1024, 32], strides = [1, 1]} : vector<1024x768xf32> to vector<1024x32xf32>
    %slice3A_23 = vector.extract_strided_slice %dot_general3A_19 {offsets = [0, 0], sizes = [1024, 736], strides = [1, 1]} : vector<1024x768xf32> to vector<1024x736xf32>
    %concatenate3A_24 = tpu.concatenate %slice3A_22, %slice3A_23 in 1 : vector<1024x32xf32>, vector<1024x736xf32> -> vector<1024x768xf32>
    %iota3A = tpu.iota {dimensions = array<i32: 1>} : vector<1024x768xi32>
    %jit3A = arith.constant 64 : i32
    %eq3A = arith.constant 0 : i32
    %eq3A_25 = arith.cmpi eq, %jit3A, %eq3A : i32
    %jit3A_26 = arith.constant 1 : i32
    %select_n3A = arith.select %eq3A_25, %jit3A_26, %jit3A : i32
    %rem3A = vector.broadcast %select_n3A : i32 to vector<1024x768xi32>
    %rem3A_27 = arith.remsi %iota3A, %rem3A : vector<1024x768xi32>
    %ne3A = arith.constant 0 : i32
    %ne3A_28 = vector.broadcast %ne3A : i32 to vector<1024x768xi32>
    %ne3A_29 = arith.cmpi ne, %rem3A_27, %ne3A_28 : vector<1024x768xi32>
    %lt3A = arith.constant 0 : i32
    %lt3A_30 = vector.broadcast %lt3A : i32 to vector<1024x768xi32>
    %lt3A_31 = arith.cmpi slt, %rem3A_27, %lt3A_30 : vector<1024x768xi32>
    %lt3A_32 = arith.constant 0 : i32
    %lt3A_33 = arith.cmpi slt, %select_n3A, %lt3A_32 : i32
    %ne3A_34 = vector.broadcast %lt3A_33 : i1 to vector<1024x768xi1>
    %ne3A_35 = vector.broadcast %ne3A_34 : vector<1024x768xi1> to vector<1024x768xi1>
    %ne3A_36 = arith.xori %lt3A_31, %ne3A_35 : vector<1024x768xi1>
    %and3A = arith.andi %ne3A_36, %ne3A_29 : vector<1024x768xi1>
    %add3A = vector.broadcast %select_n3A : i32 to vector<1024x768xi32>
    %add3A_37 = arith.addi %rem3A_27, %add3A : vector<1024x768xi32>
    %select_n3A_38 = arith.select %and3A, %add3A_37, %rem3A_27 : vector<1024x768xi1>, vector<1024x768xi32>
    %lt3A_39 = arith.constant 32 : i32
    %lt3A_40 = vector.broadcast %lt3A_39 : i32 to vector<1024x768xi32>
    %lt3A_41 = arith.cmpi slt, %select_n3A_38, %lt3A_40 : vector<1024x768xi32>
    %neg3A = arith.constant 0.000000e+00 : f32
    %neg3A_42 = vector.broadcast %neg3A : f32 to vector<1024x768xf32>
    %neg3A_43 = arith.subf %neg3A_42, %concatenate3A_21 : vector<1024x768xf32>
    %select_n3A_44 = arith.select %lt3A_41, %neg3A_43, %concatenate3A_24 : vector<1024x768xi1>, vector<1024x768xf32>
    %mul3A = arith.mulf %dot_general3A_19, %concatenate3A : vector<1024x768xf32>
    %mul3A_45 = arith.mulf %select_n3A_44, %concatenate3A_14 : vector<1024x768xf32>
    %add3A_46 = arith.addf %mul3A, %mul3A_45 : vector<1024x768xf32>
    %convert_element_type3A_47 = arith.truncf %add3A_46 : vector<1024x768xf32> to vector<1024x768xbf16>
    %swap3A = arith.constant 0 : index
    %swap3A_48 = arith.constant 0 : index
    %swap3A_49 = vector.load %arg6[%swap3A, %swap3A_48] : memref<1024x768xbf16, #tpu.memory_space<vmem>>, vector<1024x768xbf16>
    tpu.vector_store %arg6[%swap3A, %swap3A_48], %convert_element_type3A_47 {strides = array<i32>} : memref<1024x768xbf16, #tpu.memory_space<vmem>>, vector<1024x768xbf16>,
    %get3A_50 = arith.constant 0 : index
    %get3A_51 = arith.constant 0 : index
    %get3A_52 = vector.load %arg3[%get3A_50, %get3A_51] : memref<768x768xf32, #tpu.memory_space<vmem>>, vector<768x768xf32>
    %convert_element_type3A_53 = arith.truncf %get3A_52 : vector<768x768xf32> to vector<768x768xbf16>
    %dot_general3A_54 = arith.constant dense<0.000000e+00> : vector<1024x768xf32>
    %dot_general3A_55 = tpu.matmul %convert_element_type3A, %convert_element_type3A_53, %dot_general3A_54 {dimension_numbers = #tpu.dot_dimension_numbers<[1], [1], [0], [0], [0, 0, 1, 0], [], []>, transpose_lhs_hint = false} : vector<1024x768xbf16>, vector<768x768xbf16>, vector<1024x768xf32> -> vector<1024x768xf32>
    %convert_element_type3A_56 = arith.truncf %dot_general3A_55 : vector<1024x768xf32> to vector<1024x768xbf16>
    %broadcast_in_dim3A = arith.constant 1.000000e+00 : bf16
    %broadcast_in_dim3A_57 = vector.broadcast %broadcast_in_dim3A : bf16 to vector<1024x64xbf16>
    %slice3A_58 = vector.extract_strided_slice %convert_element_type3A_56 {offsets = [0, 0], sizes = [1024, 64], strides = [1, 1]} : vector<1024x768xbf16> to vector<1024x64xbf16>
    %slice3A_59 = vector.extract_strided_slice %convert_element_type3A_56 {offsets = [0, 64], sizes = [1024, 64], strides = [1, 1]} : vector<1024x768xbf16> to vector<1024x64xbf16>
    %slice3A_60 = vector.extract_strided_slice %convert_element_type3A_56 {offsets = [0, 128], sizes = [1024, 64], strides = [1, 1]} : vector<1024x768xbf16> to vector<1024x64xbf16>
    %slice3A_61 = vector.extract_strided_slice %convert_element_type3A_56 {offsets = [0, 192], sizes = [1024, 64], strides = [1, 1]} : vector<1024x768xbf16> to vector<1024x64xbf16>
    %slice3A_62 = vector.extract_strided_slice %convert_element_type3A_56 {offsets = [0, 256], sizes = [1024, 64], strides = [1, 1]} : vector<1024x768xbf16> to vector<1024x64xbf16>
    %slice3A_63 = vector.extract_strided_slice %convert_element_type3A_56 {offsets = [0, 320], sizes = [1024, 64], strides = [1, 1]} : vector<1024x768xbf16> to vector<1024x64xbf16>
    %slice3A_64 = vector.extract_strided_slice %convert_element_type3A_56 {offsets = [0, 384], sizes = [1024, 64], strides = [1, 1]} : vector<1024x768xbf16> to vector<1024x64xbf16>
    %slice3A_65 = vector.extract_strided_slice %convert_element_type3A_56 {offsets = [0, 448], sizes = [1024, 64], strides = [1, 1]} : vector<1024x768xbf16> to vector<1024x64xbf16>
    %slice3A_66 = vector.extract_strided_slice %convert_element_type3A_56 {offsets = [0, 512], sizes = [1024, 64], strides = [1, 1]} : vector<1024x768xbf16> to vector<1024x64xbf16>
    %slice3A_67 = vector.extract_strided_slice %convert_element_type3A_56 {offsets = [0, 576], sizes = [1024, 64], strides = [1, 1]} : vector<1024x768xbf16> to vector<1024x64xbf16>
    %slice3A_68 = vector.extract_strided_slice %convert_element_type3A_56 {offsets = [0, 640], sizes = [1024, 64], strides = [1, 1]} : vector<1024x768xbf16> to vector<1024x64xbf16>
    %slice3A_69 = vector.extract_strided_slice %convert_element_type3A_56 {offsets = [0, 704], sizes = [1024, 64], strides = [1, 1]} : vector<1024x768xbf16> to vector<1024x64xbf16>
    %concatenate3A_70 = tpu.concatenate %slice3A_58, %broadcast_in_dim3A_57, %slice3A_59, %broadcast_in_dim3A_57, %slice3A_60, %broadcast_in_dim3A_57, %slice3A_61, %broadcast_in_dim3A_57, %slice3A_62, %broadcast_in_dim3A_57, %slice3A_63, %broadcast_in_dim3A_57, %slice3A_64, %broadcast_in_dim3A_57, %slice3A_65, %broadcast_in_dim3A_57, %slice3A_66, %broadcast_in_dim3A_57, %slice3A_67, %broadcast_in_dim3A_57, %slice3A_68, %broadcast_in_dim3A_57, %slice3A_69, %broadcast_in_dim3A_57 in 1 : vector<1024x64xbf16>, vector<1024x64xbf16>, vector<1024x64xbf16>, vector<1024x64xbf16>, vector<1024x64xbf16>, vector<1024x64xbf16>, vector<1024x64xbf16>, vector<1024x64xbf16>, vector<1024x64xbf16>, vector<1024x64xbf16>, vector<1024x64xbf16>, vector<1024x64xbf16>, vector<1024x64xbf16>, vector<1024x64xbf16>, vector<1024x64xbf16>, vector<1024x64xbf16>, vector<1024x64xbf16>, vector<1024x64xbf16>, vector<1024x64xbf16>, vector<1024x64xbf16>, vector<1024x64xbf16>, vector<1024x64xbf16>, vector<1024x64xbf16>, vector<1024x64xbf16> -> vector<1024x1536xbf16>
    %swap3A_71 = arith.constant 0 : index
    %swap3A_72 = arith.constant 0 : index
    %swap3A_73 = vector.load %arg7[%swap3A_71, %swap3A_72] : memref<1024x1536xbf16, #tpu.memory_space<vmem>>, vector<1024x1536xbf16>
    tpu.vector_store %arg7[%swap3A_71, %swap3A_72], %concatenate3A_70 {strides = array<i32>} : memref<1024x1536xbf16, #tpu.memory_space<vmem>>, vector<1024x1536xbf16>,
    return
  }
  func.func @transform_0(%arg0: i32) -> (i32, i32, i32) {
    %c0_i32 = arith.constant 0 : i32
    %c0_i32_0 = arith.constant 0 : i32
    %c0_i32_1 = arith.constant 0 : i32
    return %c0_i32, %arg0, %c0_i32_0 : i32, i32, i32
  }
  func.func @transform_1(%arg0: i32) -> (i32, i32) {
    %c1_i32 = arith.constant 1 : i32
    %c0_i32 = arith.constant 0 : i32
    %c0_i32_0 = arith.constant 0 : i32
    return %c1_i32, %c0_i32 : i32, i32
  }
  func.func @transform_2(%arg0: i32) -> (i32, i32) {
    %c2_i32 = arith.constant 2 : i32
    %c0_i32 = arith.constant 0 : i32
    %c0_i32_0 = arith.constant 0 : i32
    return %c2_i32, %c0_i32 : i32, i32
  }
  func.func @transform_3(%arg0: i32) -> (i32, i32, i32) {
    %c0_i32 = arith.constant 0 : i32
    %c0_i32_0 = arith.constant 0 : i32
    %c0_i32_1 = arith.constant 0 : i32
    return %c0_i32, %arg0, %c0_i32_0 : i32, i32, i32
  }
  func.func @transform_4(%arg0: i32) -> (i32, i32, i32) {
    %c0_i32 = arith.constant 0 : i32
    %c0_i32_0 = arith.constant 0 : i32
    %c0_i32_1 = arith.constant 0 : i32
    return %c0_i32, %arg0, %c0_i32_0 : i32, i32, i32
  }
  func.func @transform_5(%arg0: i32) -> (i32, i32) {
    %c0_i32 = arith.constant 0 : i32
    %c0_i32_0 = arith.constant 0 : i32
    return %arg0, %c0_i32 : i32, i32
  }
  func.func @transform_6(%arg0: i32) -> (i32, i32) {
    %c0_i32 = arith.constant 0 : i32
    %c0_i32_0 = arith.constant 0 : i32
    return %arg0, %c0_i32 : i32, i32
  }
}

module attributes {stable_mosaic.version = 14 : i64} {
  func.func @_attn_body(%arg0: i32, %arg1: memref<16xi32, #tpu.memory_space<smem>>, %arg2: memref<256x768xf32, #tpu.memory_space<vmem>>, %arg3: memref<2048x768xbf16, #tpu.memory_space<vmem>>, %arg4: memref<2048x1536xbf16, #tpu.memory_space<vmem>>, %arg5: memref<768x768xbf16, #tpu.memory_space<vmem>>, %arg6: memref<256x768xf32, #tpu.memory_space<vmem>>, %arg7: memref<256x768xf32, #tpu.memory_space<vmem>>) attributes {dimension_semantics = [#tpu.dimension_semantics<arbitrary>], iteration_bounds = array<i64: 8>, scalar_prefetch = 1 : i64, scratch_operands = 1 : i64, tpu.core_type = #tpu.core_type<tc>, window_params = [{transform_indices = @transform_0, window_bounds = array<i64: 256, 768>}, {pipeline_mode = #tpu.pipeline_mode<synchronous>, transform_indices = @transform_1, window_bounds = array<i64: 2048, 768>}, {pipeline_mode = #tpu.pipeline_mode<synchronous>, transform_indices = @transform_2, window_bounds = array<i64: 2048, 1536>}, {pipeline_mode = #tpu.pipeline_mode<synchronous>, transform_indices = @transform_3, window_bounds = array<i64: 768, 768>}, {transform_indices = @transform_4, window_bounds = array<i64: 256, 768>}]} {
    %get3A = arith.constant 0 : index
    %get3A_0 = memref.load %arg1[%get3A] : memref<16xi32, #tpu.memory_space<smem>>
    %mul3A = arith.constant 256 : i32
    %mul3A_1 = arith.muli %arg0, %mul3A : i32
    %lt3A = arith.cmpi slt, %mul3A_1, %get3A_0 : i32
    %convert_element_type3A = arith.extui %lt3A : i1 to i32
    %cond3A = arith.constant 0 : i32
    %cond3A_2 = arith.cmpi ne, %convert_element_type3A, %cond3A : i32
    scf.if %cond3A_2 {
      %get3A_8 = arith.constant 0 : index
      %get3A_9 = arith.constant 0 : index
      %get3A_10 = vector.load %arg2[%get3A_8, %get3A_9] : memref<256x768xf32, #tpu.memory_space<vmem>>, vector<256x768xf32>
      %convert_element_type3A_11 = arith.truncf %get3A_10 : vector<256x768xf32> to vector<256x768xbf16>
      %slice3A = vector.extract_strided_slice %convert_element_type3A_11 {offsets = [0, 0], sizes = [256, 64], strides = [1, 1]} : vector<256x768xbf16> to vector<256x64xbf16>
      %get3A_12 = arith.constant 0 : index
      %get3A_13 = arith.constant 0 : index
      %get3A_14 = vector.load %arg3[%get3A_12, %get3A_13] : memref<2048x768xbf16, #tpu.memory_space<vmem>>, vector<2048x64xbf16>
      %dot_general3A = arith.constant dense<0.000000e+00> : vector<256x2048xf32>
      %dot_general3A_15 = tpu.matmul %slice3A, %get3A_14, %dot_general3A {dimension_numbers = #tpu.dot_dimension_numbers<[1], [1], [0], [0], [0, 0, 1, 0], [], []>, transpose_lhs_hint = false} : vector<256x64xbf16>, vector<2048x64xbf16>, vector<256x2048xf32> -> vector<256x2048xf32>
      %convert_element_type3A_16 = arith.truncf %dot_general3A_15 : vector<256x2048xf32> to vector<256x2048xbf16>
      %exp3A = math.exp %convert_element_type3A_16 : vector<256x2048xbf16>
      %get3A_17 = arith.constant 0 : index
      %get3A_18 = arith.constant 0 : index
      %get3A_19 = vector.load %arg4[%get3A_17, %get3A_18] : memref<2048x1536xbf16, #tpu.memory_space<vmem>>, vector<2048x128xbf16>
      %dot_general3A_20 = arith.constant dense<0.000000e+00> : vector<256x128xf32>
      %dot_general3A_21 = tpu.matmul %exp3A, %get3A_19, %dot_general3A_20 {dimension_numbers = #tpu.dot_dimension_numbers<[1], [0], [0], [1], [0, 0, 1, 1], [], []>, transpose_lhs_hint = false} : vector<256x2048xbf16>, vector<2048x128xbf16>, vector<256x128xf32> -> vector<256x128xf32>
      %slice3A_22 = vector.extract_strided_slice %dot_general3A_21 {offsets = [0, 0], sizes = [256, 64], strides = [1, 1]} : vector<256x128xf32> to vector<256x64xf32>
      %slice3A_23 = vector.extract_strided_slice %dot_general3A_21 {offsets = [0, 64], sizes = [256, 1], strides = [1, 1]} : vector<256x128xf32> to vector<256x1xf32>
      %div3A = vector.broadcast %slice3A_23 : vector<256x1xf32> to vector<256x64xf32>
      %div3A_24 = arith.divf %slice3A_22, %div3A : vector<256x64xf32>
      %swap3A = arith.constant 0 : index
      %swap3A_25 = arith.constant 0 : index
      %swap3A_26 = vector.load %arg7[%swap3A, %swap3A_25] : memref<256x768xf32, #tpu.memory_space<vmem>>, vector<256x64xf32>
      tpu.vector_store %arg7[%swap3A, %swap3A_25], %div3A_24 {strides = array<i32>} : memref<256x768xf32, #tpu.memory_space<vmem>>, vector<256x64xf32>,
      %slice3A_27 = vector.extract_strided_slice %convert_element_type3A_11 {offsets = [0, 64], sizes = [256, 64], strides = [1, 1]} : vector<256x768xbf16> to vector<256x64xbf16>
      %get3A_28 = arith.constant 0 : index
      %get3A_29 = arith.constant 64 : index
      %get3A_30 = vector.load %arg3[%get3A_28, %get3A_29] : memref<2048x768xbf16, #tpu.memory_space<vmem>>, vector<2048x64xbf16>
      %dot_general3A_31 = arith.constant dense<0.000000e+00> : vector<256x2048xf32>
      %dot_general3A_32 = tpu.matmul %slice3A_27, %get3A_30, %dot_general3A_31 {dimension_numbers = #tpu.dot_dimension_numbers<[1], [1], [0], [0], [0, 0, 1, 0], [], []>, transpose_lhs_hint = false} : vector<256x64xbf16>, vector<2048x64xbf16>, vector<256x2048xf32> -> vector<256x2048xf32>
      %convert_element_type3A_33 = arith.truncf %dot_general3A_32 : vector<256x2048xf32> to vector<256x2048xbf16>
      %exp3A_34 = math.exp %convert_element_type3A_33 : vector<256x2048xbf16>
      %get3A_35 = arith.constant 0 : index
      %get3A_36 = arith.constant 128 : index
      %get3A_37 = vector.load %arg4[%get3A_35, %get3A_36] : memref<2048x1536xbf16, #tpu.memory_space<vmem>>, vector<2048x128xbf16>
      %dot_general3A_38 = arith.constant dense<0.000000e+00> : vector<256x128xf32>
      %dot_general3A_39 = tpu.matmul %exp3A_34, %get3A_37, %dot_general3A_38 {dimension_numbers = #tpu.dot_dimension_numbers<[1], [0], [0], [1], [0, 0, 1, 1], [], []>, transpose_lhs_hint = false} : vector<256x2048xbf16>, vector<2048x128xbf16>, vector<256x128xf32> -> vector<256x128xf32>
      %slice3A_40 = vector.extract_strided_slice %dot_general3A_39 {offsets = [0, 0], sizes = [256, 64], strides = [1, 1]} : vector<256x128xf32> to vector<256x64xf32>
      %slice3A_41 = vector.extract_strided_slice %dot_general3A_39 {offsets = [0, 64], sizes = [256, 1], strides = [1, 1]} : vector<256x128xf32> to vector<256x1xf32>
      %div3A_42 = vector.broadcast %slice3A_41 : vector<256x1xf32> to vector<256x64xf32>
      %div3A_43 = arith.divf %slice3A_40, %div3A_42 : vector<256x64xf32>
      %swap3A_44 = arith.constant 0 : index
      %swap3A_45 = arith.constant 64 : index
      %swap3A_46 = vector.load %arg7[%swap3A_44, %swap3A_45] : memref<256x768xf32, #tpu.memory_space<vmem>>, vector<256x64xf32>
      tpu.vector_store %arg7[%swap3A_44, %swap3A_45], %div3A_43 {strides = array<i32>} : memref<256x768xf32, #tpu.memory_space<vmem>>, vector<256x64xf32>,
      %slice3A_47 = vector.extract_strided_slice %convert_element_type3A_11 {offsets = [0, 128], sizes = [256, 64], strides = [1, 1]} : vector<256x768xbf16> to vector<256x64xbf16>
      %get3A_48 = arith.constant 0 : index
      %get3A_49 = arith.constant 128 : index
      %get3A_50 = vector.load %arg3[%get3A_48, %get3A_49] : memref<2048x768xbf16, #tpu.memory_space<vmem>>, vector<2048x64xbf16>
      %dot_general3A_51 = arith.constant dense<0.000000e+00> : vector<256x2048xf32>
      %dot_general3A_52 = tpu.matmul %slice3A_47, %get3A_50, %dot_general3A_51 {dimension_numbers = #tpu.dot_dimension_numbers<[1], [1], [0], [0], [0, 0, 1, 0], [], []>, transpose_lhs_hint = false} : vector<256x64xbf16>, vector<2048x64xbf16>, vector<256x2048xf32> -> vector<256x2048xf32>
      %convert_element_type3A_53 = arith.truncf %dot_general3A_52 : vector<256x2048xf32> to vector<256x2048xbf16>
      %exp3A_54 = math.exp %convert_element_type3A_53 : vector<256x2048xbf16>
      %get3A_55 = arith.constant 0 : index
      %get3A_56 = arith.constant 256 : index
      %get3A_57 = vector.load %arg4[%get3A_55, %get3A_56] : memref<2048x1536xbf16, #tpu.memory_space<vmem>>, vector<2048x128xbf16>
      %dot_general3A_58 = arith.constant dense<0.000000e+00> : vector<256x128xf32>
      %dot_general3A_59 = tpu.matmul %exp3A_54, %get3A_57, %dot_general3A_58 {dimension_numbers = #tpu.dot_dimension_numbers<[1], [0], [0], [1], [0, 0, 1, 1], [], []>, transpose_lhs_hint = false} : vector<256x2048xbf16>, vector<2048x128xbf16>, vector<256x128xf32> -> vector<256x128xf32>
      %slice3A_60 = vector.extract_strided_slice %dot_general3A_59 {offsets = [0, 0], sizes = [256, 64], strides = [1, 1]} : vector<256x128xf32> to vector<256x64xf32>
      %slice3A_61 = vector.extract_strided_slice %dot_general3A_59 {offsets = [0, 64], sizes = [256, 1], strides = [1, 1]} : vector<256x128xf32> to vector<256x1xf32>
      %div3A_62 = vector.broadcast %slice3A_61 : vector<256x1xf32> to vector<256x64xf32>
      %div3A_63 = arith.divf %slice3A_60, %div3A_62 : vector<256x64xf32>
      %swap3A_64 = arith.constant 0 : index
      %swap3A_65 = arith.constant 128 : index
      %swap3A_66 = vector.load %arg7[%swap3A_64, %swap3A_65] : memref<256x768xf32, #tpu.memory_space<vmem>>, vector<256x64xf32>
      tpu.vector_store %arg7[%swap3A_64, %swap3A_65], %div3A_63 {strides = array<i32>} : memref<256x768xf32, #tpu.memory_space<vmem>>, vector<256x64xf32>,
      %slice3A_67 = vector.extract_strided_slice %convert_element_type3A_11 {offsets = [0, 192], sizes = [256, 64], strides = [1, 1]} : vector<256x768xbf16> to vector<256x64xbf16>
      %get3A_68 = arith.constant 0 : index
      %get3A_69 = arith.constant 192 : index
      %get3A_70 = vector.load %arg3[%get3A_68, %get3A_69] : memref<2048x768xbf16, #tpu.memory_space<vmem>>, vector<2048x64xbf16>
      %dot_general3A_71 = arith.constant dense<0.000000e+00> : vector<256x2048xf32>
      %dot_general3A_72 = tpu.matmul %slice3A_67, %get3A_70, %dot_general3A_71 {dimension_numbers = #tpu.dot_dimension_numbers<[1], [1], [0], [0], [0, 0, 1, 0], [], []>, transpose_lhs_hint = false} : vector<256x64xbf16>, vector<2048x64xbf16>, vector<256x2048xf32> -> vector<256x2048xf32>
      %convert_element_type3A_73 = arith.truncf %dot_general3A_72 : vector<256x2048xf32> to vector<256x2048xbf16>
      %exp3A_74 = math.exp %convert_element_type3A_73 : vector<256x2048xbf16>
      %get3A_75 = arith.constant 0 : index
      %get3A_76 = arith.constant 384 : index
      %get3A_77 = vector.load %arg4[%get3A_75, %get3A_76] : memref<2048x1536xbf16, #tpu.memory_space<vmem>>, vector<2048x128xbf16>
      %dot_general3A_78 = arith.constant dense<0.000000e+00> : vector<256x128xf32>
      %dot_general3A_79 = tpu.matmul %exp3A_74, %get3A_77, %dot_general3A_78 {dimension_numbers = #tpu.dot_dimension_numbers<[1], [0], [0], [1], [0, 0, 1, 1], [], []>, transpose_lhs_hint = false} : vector<256x2048xbf16>, vector<2048x128xbf16>, vector<256x128xf32> -> vector<256x128xf32>
      %slice3A_80 = vector.extract_strided_slice %dot_general3A_79 {offsets = [0, 0], sizes = [256, 64], strides = [1, 1]} : vector<256x128xf32> to vector<256x64xf32>
      %slice3A_81 = vector.extract_strided_slice %dot_general3A_79 {offsets = [0, 64], sizes = [256, 1], strides = [1, 1]} : vector<256x128xf32> to vector<256x1xf32>
      %div3A_82 = vector.broadcast %slice3A_81 : vector<256x1xf32> to vector<256x64xf32>
      %div3A_83 = arith.divf %slice3A_80, %div3A_82 : vector<256x64xf32>
      %swap3A_84 = arith.constant 0 : index
      %swap3A_85 = arith.constant 192 : index
      %swap3A_86 = vector.load %arg7[%swap3A_84, %swap3A_85] : memref<256x768xf32, #tpu.memory_space<vmem>>, vector<256x64xf32>
      tpu.vector_store %arg7[%swap3A_84, %swap3A_85], %div3A_83 {strides = array<i32>} : memref<256x768xf32, #tpu.memory_space<vmem>>, vector<256x64xf32>,
      %slice3A_87 = vector.extract_strided_slice %convert_element_type3A_11 {offsets = [0, 256], sizes = [256, 64], strides = [1, 1]} : vector<256x768xbf16> to vector<256x64xbf16>
      %get3A_88 = arith.constant 0 : index
      %get3A_89 = arith.constant 256 : index
      %get3A_90 = vector.load %arg3[%get3A_88, %get3A_89] : memref<2048x768xbf16, #tpu.memory_space<vmem>>, vector<2048x64xbf16>
      %dot_general3A_91 = arith.constant dense<0.000000e+00> : vector<256x2048xf32>
      %dot_general3A_92 = tpu.matmul %slice3A_87, %get3A_90, %dot_general3A_91 {dimension_numbers = #tpu.dot_dimension_numbers<[1], [1], [0], [0], [0, 0, 1, 0], [], []>, transpose_lhs_hint = false} : vector<256x64xbf16>, vector<2048x64xbf16>, vector<256x2048xf32> -> vector<256x2048xf32>
      %convert_element_type3A_93 = arith.truncf %dot_general3A_92 : vector<256x2048xf32> to vector<256x2048xbf16>
      %exp3A_94 = math.exp %convert_element_type3A_93 : vector<256x2048xbf16>
      %get3A_95 = arith.constant 0 : index
      %get3A_96 = arith.constant 512 : index
      %get3A_97 = vector.load %arg4[%get3A_95, %get3A_96] : memref<2048x1536xbf16, #tpu.memory_space<vmem>>, vector<2048x128xbf16>
      %dot_general3A_98 = arith.constant dense<0.000000e+00> : vector<256x128xf32>
      %dot_general3A_99 = tpu.matmul %exp3A_94, %get3A_97, %dot_general3A_98 {dimension_numbers = #tpu.dot_dimension_numbers<[1], [0], [0], [1], [0, 0, 1, 1], [], []>, transpose_lhs_hint = false} : vector<256x2048xbf16>, vector<2048x128xbf16>, vector<256x128xf32> -> vector<256x128xf32>
      %slice3A_100 = vector.extract_strided_slice %dot_general3A_99 {offsets = [0, 0], sizes = [256, 64], strides = [1, 1]} : vector<256x128xf32> to vector<256x64xf32>
      %slice3A_101 = vector.extract_strided_slice %dot_general3A_99 {offsets = [0, 64], sizes = [256, 1], strides = [1, 1]} : vector<256x128xf32> to vector<256x1xf32>
      %div3A_102 = vector.broadcast %slice3A_101 : vector<256x1xf32> to vector<256x64xf32>
      %div3A_103 = arith.divf %slice3A_100, %div3A_102 : vector<256x64xf32>
      %swap3A_104 = arith.constant 0 : index
      %swap3A_105 = arith.constant 256 : index
      %swap3A_106 = vector.load %arg7[%swap3A_104, %swap3A_105] : memref<256x768xf32, #tpu.memory_space<vmem>>, vector<256x64xf32>
      tpu.vector_store %arg7[%swap3A_104, %swap3A_105], %div3A_103 {strides = array<i32>} : memref<256x768xf32, #tpu.memory_space<vmem>>, vector<256x64xf32>,
      %slice3A_107 = vector.extract_strided_slice %convert_element_type3A_11 {offsets = [0, 320], sizes = [256, 64], strides = [1, 1]} : vector<256x768xbf16> to vector<256x64xbf16>
      %get3A_108 = arith.constant 0 : index
      %get3A_109 = arith.constant 320 : index
      %get3A_110 = vector.load %arg3[%get3A_108, %get3A_109] : memref<2048x768xbf16, #tpu.memory_space<vmem>>, vector<2048x64xbf16>
      %dot_general3A_111 = arith.constant dense<0.000000e+00> : vector<256x2048xf32>
      %dot_general3A_112 = tpu.matmul %slice3A_107, %get3A_110, %dot_general3A_111 {dimension_numbers = #tpu.dot_dimension_numbers<[1], [1], [0], [0], [0, 0, 1, 0], [], []>, transpose_lhs_hint = false} : vector<256x64xbf16>, vector<2048x64xbf16>, vector<256x2048xf32> -> vector<256x2048xf32>
      %convert_element_type3A_113 = arith.truncf %dot_general3A_112 : vector<256x2048xf32> to vector<256x2048xbf16>
      %exp3A_114 = math.exp %convert_element_type3A_113 : vector<256x2048xbf16>
      %get3A_115 = arith.constant 0 : index
      %get3A_116 = arith.constant 640 : index
      %get3A_117 = vector.load %arg4[%get3A_115, %get3A_116] : memref<2048x1536xbf16, #tpu.memory_space<vmem>>, vector<2048x128xbf16>
      %dot_general3A_118 = arith.constant dense<0.000000e+00> : vector<256x128xf32>
      %dot_general3A_119 = tpu.matmul %exp3A_114, %get3A_117, %dot_general3A_118 {dimension_numbers = #tpu.dot_dimension_numbers<[1], [0], [0], [1], [0, 0, 1, 1], [], []>, transpose_lhs_hint = false} : vector<256x2048xbf16>, vector<2048x128xbf16>, vector<256x128xf32> -> vector<256x128xf32>
      %slice3A_120 = vector.extract_strided_slice %dot_general3A_119 {offsets = [0, 0], sizes = [256, 64], strides = [1, 1]} : vector<256x128xf32> to vector<256x64xf32>
      %slice3A_121 = vector.extract_strided_slice %dot_general3A_119 {offsets = [0, 64], sizes = [256, 1], strides = [1, 1]} : vector<256x128xf32> to vector<256x1xf32>
      %div3A_122 = vector.broadcast %slice3A_121 : vector<256x1xf32> to vector<256x64xf32>
      %div3A_123 = arith.divf %slice3A_120, %div3A_122 : vector<256x64xf32>
      %swap3A_124 = arith.constant 0 : index
      %swap3A_125 = arith.constant 320 : index
      %swap3A_126 = vector.load %arg7[%swap3A_124, %swap3A_125] : memref<256x768xf32, #tpu.memory_space<vmem>>, vector<256x64xf32>
      tpu.vector_store %arg7[%swap3A_124, %swap3A_125], %div3A_123 {strides = array<i32>} : memref<256x768xf32, #tpu.memory_space<vmem>>, vector<256x64xf32>,
      %slice3A_127 = vector.extract_strided_slice %convert_element_type3A_11 {offsets = [0, 384], sizes = [256, 64], strides = [1, 1]} : vector<256x768xbf16> to vector<256x64xbf16>
      %get3A_128 = arith.constant 0 : index
      %get3A_129 = arith.constant 384 : index
      %get3A_130 = vector.load %arg3[%get3A_128, %get3A_129] : memref<2048x768xbf16, #tpu.memory_space<vmem>>, vector<2048x64xbf16>
      %dot_general3A_131 = arith.constant dense<0.000000e+00> : vector<256x2048xf32>
      %dot_general3A_132 = tpu.matmul %slice3A_127, %get3A_130, %dot_general3A_131 {dimension_numbers = #tpu.dot_dimension_numbers<[1], [1], [0], [0], [0, 0, 1, 0], [], []>, transpose_lhs_hint = false} : vector<256x64xbf16>, vector<2048x64xbf16>, vector<256x2048xf32> -> vector<256x2048xf32>
      %convert_element_type3A_133 = arith.truncf %dot_general3A_132 : vector<256x2048xf32> to vector<256x2048xbf16>
      %exp3A_134 = math.exp %convert_element_type3A_133 : vector<256x2048xbf16>
      %get3A_135 = arith.constant 0 : index
      %get3A_136 = arith.constant 768 : index
      %get3A_137 = vector.load %arg4[%get3A_135, %get3A_136] : memref<2048x1536xbf16, #tpu.memory_space<vmem>>, vector<2048x128xbf16>
      %dot_general3A_138 = arith.constant dense<0.000000e+00> : vector<256x128xf32>
      %dot_general3A_139 = tpu.matmul %exp3A_134, %get3A_137, %dot_general3A_138 {dimension_numbers = #tpu.dot_dimension_numbers<[1], [0], [0], [1], [0, 0, 1, 1], [], []>, transpose_lhs_hint = false} : vector<256x2048xbf16>, vector<2048x128xbf16>, vector<256x128xf32> -> vector<256x128xf32>
      %slice3A_140 = vector.extract_strided_slice %dot_general3A_139 {offsets = [0, 0], sizes = [256, 64], strides = [1, 1]} : vector<256x128xf32> to vector<256x64xf32>
      %slice3A_141 = vector.extract_strided_slice %dot_general3A_139 {offsets = [0, 64], sizes = [256, 1], strides = [1, 1]} : vector<256x128xf32> to vector<256x1xf32>
      %div3A_142 = vector.broadcast %slice3A_141 : vector<256x1xf32> to vector<256x64xf32>
      %div3A_143 = arith.divf %slice3A_140, %div3A_142 : vector<256x64xf32>
      %swap3A_144 = arith.constant 0 : index
      %swap3A_145 = arith.constant 384 : index
      %swap3A_146 = vector.load %arg7[%swap3A_144, %swap3A_145] : memref<256x768xf32, #tpu.memory_space<vmem>>, vector<256x64xf32>
      tpu.vector_store %arg7[%swap3A_144, %swap3A_145], %div3A_143 {strides = array<i32>} : memref<256x768xf32, #tpu.memory_space<vmem>>, vector<256x64xf32>,
      %slice3A_147 = vector.extract_strided_slice %convert_element_type3A_11 {offsets = [0, 448], sizes = [256, 64], strides = [1, 1]} : vector<256x768xbf16> to vector<256x64xbf16>
      %get3A_148 = arith.constant 0 : index
      %get3A_149 = arith.constant 448 : index
      %get3A_150 = vector.load %arg3[%get3A_148, %get3A_149] : memref<2048x768xbf16, #tpu.memory_space<vmem>>, vector<2048x64xbf16>
      %dot_general3A_151 = arith.constant dense<0.000000e+00> : vector<256x2048xf32>
      %dot_general3A_152 = tpu.matmul %slice3A_147, %get3A_150, %dot_general3A_151 {dimension_numbers = #tpu.dot_dimension_numbers<[1], [1], [0], [0], [0, 0, 1, 0], [], []>, transpose_lhs_hint = false} : vector<256x64xbf16>, vector<2048x64xbf16>, vector<256x2048xf32> -> vector<256x2048xf32>
      %convert_element_type3A_153 = arith.truncf %dot_general3A_152 : vector<256x2048xf32> to vector<256x2048xbf16>
      %exp3A_154 = math.exp %convert_element_type3A_153 : vector<256x2048xbf16>
      %get3A_155 = arith.constant 0 : index
      %get3A_156 = arith.constant 896 : index
      %get3A_157 = vector.load %arg4[%get3A_155, %get3A_156] : memref<2048x1536xbf16, #tpu.memory_space<vmem>>, vector<2048x128xbf16>
      %dot_general3A_158 = arith.constant dense<0.000000e+00> : vector<256x128xf32>
      %dot_general3A_159 = tpu.matmul %exp3A_154, %get3A_157, %dot_general3A_158 {dimension_numbers = #tpu.dot_dimension_numbers<[1], [0], [0], [1], [0, 0, 1, 1], [], []>, transpose_lhs_hint = false} : vector<256x2048xbf16>, vector<2048x128xbf16>, vector<256x128xf32> -> vector<256x128xf32>
      %slice3A_160 = vector.extract_strided_slice %dot_general3A_159 {offsets = [0, 0], sizes = [256, 64], strides = [1, 1]} : vector<256x128xf32> to vector<256x64xf32>
      %slice3A_161 = vector.extract_strided_slice %dot_general3A_159 {offsets = [0, 64], sizes = [256, 1], strides = [1, 1]} : vector<256x128xf32> to vector<256x1xf32>
      %div3A_162 = vector.broadcast %slice3A_161 : vector<256x1xf32> to vector<256x64xf32>
      %div3A_163 = arith.divf %slice3A_160, %div3A_162 : vector<256x64xf32>
      %swap3A_164 = arith.constant 0 : index
      %swap3A_165 = arith.constant 448 : index
      %swap3A_166 = vector.load %arg7[%swap3A_164, %swap3A_165] : memref<256x768xf32, #tpu.memory_space<vmem>>, vector<256x64xf32>
      tpu.vector_store %arg7[%swap3A_164, %swap3A_165], %div3A_163 {strides = array<i32>} : memref<256x768xf32, #tpu.memory_space<vmem>>, vector<256x64xf32>,
      %slice3A_167 = vector.extract_strided_slice %convert_element_type3A_11 {offsets = [0, 512], sizes = [256, 64], strides = [1, 1]} : vector<256x768xbf16> to vector<256x64xbf16>
      %get3A_168 = arith.constant 0 : index
      %get3A_169 = arith.constant 512 : index
      %get3A_170 = vector.load %arg3[%get3A_168, %get3A_169] : memref<2048x768xbf16, #tpu.memory_space<vmem>>, vector<2048x64xbf16>
      %dot_general3A_171 = arith.constant dense<0.000000e+00> : vector<256x2048xf32>
      %dot_general3A_172 = tpu.matmul %slice3A_167, %get3A_170, %dot_general3A_171 {dimension_numbers = #tpu.dot_dimension_numbers<[1], [1], [0], [0], [0, 0, 1, 0], [], []>, transpose_lhs_hint = false} : vector<256x64xbf16>, vector<2048x64xbf16>, vector<256x2048xf32> -> vector<256x2048xf32>
      %convert_element_type3A_173 = arith.truncf %dot_general3A_172 : vector<256x2048xf32> to vector<256x2048xbf16>
      %exp3A_174 = math.exp %convert_element_type3A_173 : vector<256x2048xbf16>
      %get3A_175 = arith.constant 0 : index
      %get3A_176 = arith.constant 1024 : index
      %get3A_177 = vector.load %arg4[%get3A_175, %get3A_176] : memref<2048x1536xbf16, #tpu.memory_space<vmem>>, vector<2048x128xbf16>
      %dot_general3A_178 = arith.constant dense<0.000000e+00> : vector<256x128xf32>
      %dot_general3A_179 = tpu.matmul %exp3A_174, %get3A_177, %dot_general3A_178 {dimension_numbers = #tpu.dot_dimension_numbers<[1], [0], [0], [1], [0, 0, 1, 1], [], []>, transpose_lhs_hint = false} : vector<256x2048xbf16>, vector<2048x128xbf16>, vector<256x128xf32> -> vector<256x128xf32>
      %slice3A_180 = vector.extract_strided_slice %dot_general3A_179 {offsets = [0, 0], sizes = [256, 64], strides = [1, 1]} : vector<256x128xf32> to vector<256x64xf32>
      %slice3A_181 = vector.extract_strided_slice %dot_general3A_179 {offsets = [0, 64], sizes = [256, 1], strides = [1, 1]} : vector<256x128xf32> to vector<256x1xf32>
      %div3A_182 = vector.broadcast %slice3A_181 : vector<256x1xf32> to vector<256x64xf32>
      %div3A_183 = arith.divf %slice3A_180, %div3A_182 : vector<256x64xf32>
      %swap3A_184 = arith.constant 0 : index
      %swap3A_185 = arith.constant 512 : index
      %swap3A_186 = vector.load %arg7[%swap3A_184, %swap3A_185] : memref<256x768xf32, #tpu.memory_space<vmem>>, vector<256x64xf32>
      tpu.vector_store %arg7[%swap3A_184, %swap3A_185], %div3A_183 {strides = array<i32>} : memref<256x768xf32, #tpu.memory_space<vmem>>, vector<256x64xf32>,
      %slice3A_187 = vector.extract_strided_slice %convert_element_type3A_11 {offsets = [0, 576], sizes = [256, 64], strides = [1, 1]} : vector<256x768xbf16> to vector<256x64xbf16>
      %get3A_188 = arith.constant 0 : index
      %get3A_189 = arith.constant 576 : index
      %get3A_190 = vector.load %arg3[%get3A_188, %get3A_189] : memref<2048x768xbf16, #tpu.memory_space<vmem>>, vector<2048x64xbf16>
      %dot_general3A_191 = arith.constant dense<0.000000e+00> : vector<256x2048xf32>
      %dot_general3A_192 = tpu.matmul %slice3A_187, %get3A_190, %dot_general3A_191 {dimension_numbers = #tpu.dot_dimension_numbers<[1], [1], [0], [0], [0, 0, 1, 0], [], []>, transpose_lhs_hint = false} : vector<256x64xbf16>, vector<2048x64xbf16>, vector<256x2048xf32> -> vector<256x2048xf32>
      %convert_element_type3A_193 = arith.truncf %dot_general3A_192 : vector<256x2048xf32> to vector<256x2048xbf16>
      %exp3A_194 = math.exp %convert_element_type3A_193 : vector<256x2048xbf16>
      %get3A_195 = arith.constant 0 : index
      %get3A_196 = arith.constant 1152 : index
      %get3A_197 = vector.load %arg4[%get3A_195, %get3A_196] : memref<2048x1536xbf16, #tpu.memory_space<vmem>>, vector<2048x128xbf16>
      %dot_general3A_198 = arith.constant dense<0.000000e+00> : vector<256x128xf32>
      %dot_general3A_199 = tpu.matmul %exp3A_194, %get3A_197, %dot_general3A_198 {dimension_numbers = #tpu.dot_dimension_numbers<[1], [0], [0], [1], [0, 0, 1, 1], [], []>, transpose_lhs_hint = false} : vector<256x2048xbf16>, vector<2048x128xbf16>, vector<256x128xf32> -> vector<256x128xf32>
      %slice3A_200 = vector.extract_strided_slice %dot_general3A_199 {offsets = [0, 0], sizes = [256, 64], strides = [1, 1]} : vector<256x128xf32> to vector<256x64xf32>
      %slice3A_201 = vector.extract_strided_slice %dot_general3A_199 {offsets = [0, 64], sizes = [256, 1], strides = [1, 1]} : vector<256x128xf32> to vector<256x1xf32>
      %div3A_202 = vector.broadcast %slice3A_201 : vector<256x1xf32> to vector<256x64xf32>
      %div3A_203 = arith.divf %slice3A_200, %div3A_202 : vector<256x64xf32>
      %swap3A_204 = arith.constant 0 : index
      %swap3A_205 = arith.constant 576 : index
      %swap3A_206 = vector.load %arg7[%swap3A_204, %swap3A_205] : memref<256x768xf32, #tpu.memory_space<vmem>>, vector<256x64xf32>
      tpu.vector_store %arg7[%swap3A_204, %swap3A_205], %div3A_203 {strides = array<i32>} : memref<256x768xf32, #tpu.memory_space<vmem>>, vector<256x64xf32>,
      %slice3A_207 = vector.extract_strided_slice %convert_element_type3A_11 {offsets = [0, 640], sizes = [256, 64], strides = [1, 1]} : vector<256x768xbf16> to vector<256x64xbf16>
      %get3A_208 = arith.constant 0 : index
      %get3A_209 = arith.constant 640 : index
      %get3A_210 = vector.load %arg3[%get3A_208, %get3A_209] : memref<2048x768xbf16, #tpu.memory_space<vmem>>, vector<2048x64xbf16>
      %dot_general3A_211 = arith.constant dense<0.000000e+00> : vector<256x2048xf32>
      %dot_general3A_212 = tpu.matmul %slice3A_207, %get3A_210, %dot_general3A_211 {dimension_numbers = #tpu.dot_dimension_numbers<[1], [1], [0], [0], [0, 0, 1, 0], [], []>, transpose_lhs_hint = false} : vector<256x64xbf16>, vector<2048x64xbf16>, vector<256x2048xf32> -> vector<256x2048xf32>
      %convert_element_type3A_213 = arith.truncf %dot_general3A_212 : vector<256x2048xf32> to vector<256x2048xbf16>
      %exp3A_214 = math.exp %convert_element_type3A_213 : vector<256x2048xbf16>
      %get3A_215 = arith.constant 0 : index
      %get3A_216 = arith.constant 1280 : index
      %get3A_217 = vector.load %arg4[%get3A_215, %get3A_216] : memref<2048x1536xbf16, #tpu.memory_space<vmem>>, vector<2048x128xbf16>
      %dot_general3A_218 = arith.constant dense<0.000000e+00> : vector<256x128xf32>
      %dot_general3A_219 = tpu.matmul %exp3A_214, %get3A_217, %dot_general3A_218 {dimension_numbers = #tpu.dot_dimension_numbers<[1], [0], [0], [1], [0, 0, 1, 1], [], []>, transpose_lhs_hint = false} : vector<256x2048xbf16>, vector<2048x128xbf16>, vector<256x128xf32> -> vector<256x128xf32>
      %slice3A_220 = vector.extract_strided_slice %dot_general3A_219 {offsets = [0, 0], sizes = [256, 64], strides = [1, 1]} : vector<256x128xf32> to vector<256x64xf32>
      %slice3A_221 = vector.extract_strided_slice %dot_general3A_219 {offsets = [0, 64], sizes = [256, 1], strides = [1, 1]} : vector<256x128xf32> to vector<256x1xf32>
      %div3A_222 = vector.broadcast %slice3A_221 : vector<256x1xf32> to vector<256x64xf32>
      %div3A_223 = arith.divf %slice3A_220, %div3A_222 : vector<256x64xf32>
      %swap3A_224 = arith.constant 0 : index
      %swap3A_225 = arith.constant 640 : index
      %swap3A_226 = vector.load %arg7[%swap3A_224, %swap3A_225] : memref<256x768xf32, #tpu.memory_space<vmem>>, vector<256x64xf32>
      tpu.vector_store %arg7[%swap3A_224, %swap3A_225], %div3A_223 {strides = array<i32>} : memref<256x768xf32, #tpu.memory_space<vmem>>, vector<256x64xf32>,
      %slice3A_227 = vector.extract_strided_slice %convert_element_type3A_11 {offsets = [0, 704], sizes = [256, 64], strides = [1, 1]} : vector<256x768xbf16> to vector<256x64xbf16>
      %get3A_228 = arith.constant 0 : index
      %get3A_229 = arith.constant 704 : index
      %get3A_230 = vector.load %arg3[%get3A_228, %get3A_229] : memref<2048x768xbf16, #tpu.memory_space<vmem>>, vector<2048x64xbf16>
      %dot_general3A_231 = arith.constant dense<0.000000e+00> : vector<256x2048xf32>
      %dot_general3A_232 = tpu.matmul %slice3A_227, %get3A_230, %dot_general3A_231 {dimension_numbers = #tpu.dot_dimension_numbers<[1], [1], [0], [0], [0, 0, 1, 0], [], []>, transpose_lhs_hint = false} : vector<256x64xbf16>, vector<2048x64xbf16>, vector<256x2048xf32> -> vector<256x2048xf32>
      %convert_element_type3A_233 = arith.truncf %dot_general3A_232 : vector<256x2048xf32> to vector<256x2048xbf16>
      %exp3A_234 = math.exp %convert_element_type3A_233 : vector<256x2048xbf16>
      %get3A_235 = arith.constant 0 : index
      %get3A_236 = arith.constant 1408 : index
      %get3A_237 = vector.load %arg4[%get3A_235, %get3A_236] : memref<2048x1536xbf16, #tpu.memory_space<vmem>>, vector<2048x128xbf16>
      %dot_general3A_238 = arith.constant dense<0.000000e+00> : vector<256x128xf32>
      %dot_general3A_239 = tpu.matmul %exp3A_234, %get3A_237, %dot_general3A_238 {dimension_numbers = #tpu.dot_dimension_numbers<[1], [0], [0], [1], [0, 0, 1, 1], [], []>, transpose_lhs_hint = false} : vector<256x2048xbf16>, vector<2048x128xbf16>, vector<256x128xf32> -> vector<256x128xf32>
      %slice3A_240 = vector.extract_strided_slice %dot_general3A_239 {offsets = [0, 0], sizes = [256, 64], strides = [1, 1]} : vector<256x128xf32> to vector<256x64xf32>
      %slice3A_241 = vector.extract_strided_slice %dot_general3A_239 {offsets = [0, 64], sizes = [256, 1], strides = [1, 1]} : vector<256x128xf32> to vector<256x1xf32>
      %div3A_242 = vector.broadcast %slice3A_241 : vector<256x1xf32> to vector<256x64xf32>
      %div3A_243 = arith.divf %slice3A_240, %div3A_242 : vector<256x64xf32>
      %swap3A_244 = arith.constant 0 : index
      %swap3A_245 = arith.constant 704 : index
      %swap3A_246 = vector.load %arg7[%swap3A_244, %swap3A_245] : memref<256x768xf32, #tpu.memory_space<vmem>>, vector<256x64xf32>
      tpu.vector_store %arg7[%swap3A_244, %swap3A_245], %div3A_243 {strides = array<i32>} : memref<256x768xf32, #tpu.memory_space<vmem>>, vector<256x64xf32>,
      %get3A_247 = arith.constant 0 : index
      %get3A_248 = arith.constant 0 : index
      %get3A_249 = vector.load %arg7[%get3A_247, %get3A_248] : memref<256x768xf32, #tpu.memory_space<vmem>>, vector<256x768xf32>
      %convert_element_type3A_250 = arith.truncf %get3A_249 : vector<256x768xf32> to vector<256x768xbf16>
      %mul3A_251 = arith.constant 256 : i32
      %mul3A_252 = arith.muli %arg0, %mul3A_251 : i32
      %iota3A = tpu.iota {dimensions = array<i32: 0>} : vector<256x1xi32>
      %add3A = vector.broadcast %mul3A_252 : i32 to vector<256x1xi32>
      %add3A_253 = arith.addi %add3A, %iota3A : vector<256x1xi32>
      %lt3A_254 = vector.broadcast %get3A_0 : i32 to vector<256x1xi32>
      %lt3A_255 = arith.cmpi slt, %add3A_253, %lt3A_254 : vector<256x1xi32>
      %convert_element_type3A_256 = arith.extui %lt3A_255 : vector<256x1xi1> to vector<256x1xi32>
      %convert_element_type3A_257 = arith.sitofp %convert_element_type3A_256 : vector<256x1xi32> to vector<256x1xf32>
      %get3A_258 = arith.constant 0 : index
      %get3A_259 = arith.constant 0 : index
      %get3A_260 = vector.load %arg5[%get3A_258, %get3A_259] : memref<768x768xbf16, #tpu.memory_space<vmem>>, vector<768x768xbf16>
      %dot_general3A_261 = arith.constant dense<0.000000e+00> : vector<256x768xf32>
      %dot_general3A_262 = tpu.matmul %convert_element_type3A_250, %get3A_260, %dot_general3A_261 {dimension_numbers = #tpu.dot_dimension_numbers<[1], [1], [0], [0], [0, 0, 1, 0], [], []>, transpose_lhs_hint = false} : vector<256x768xbf16>, vector<768x768xbf16>, vector<256x768xf32> -> vector<256x768xf32>
      %mul3A_263 = vector.broadcast %convert_element_type3A_257 : vector<256x1xf32> to vector<256x768xf32>
      %mul3A_264 = arith.mulf %dot_general3A_262, %mul3A_263 : vector<256x768xf32>
      %swap3A_265 = arith.constant 0 : index
      %swap3A_266 = arith.constant 0 : index
      %swap3A_267 = vector.load %arg6[%swap3A_265, %swap3A_266] : memref<256x768xf32, #tpu.memory_space<vmem>>, vector<256x768xf32>
      tpu.vector_store %arg6[%swap3A_265, %swap3A_266], %mul3A_264 {strides = array<i32>} : memref<256x768xf32, #tpu.memory_space<vmem>>, vector<256x768xf32>,
    } else {
    }
    %mul3A_3 = arith.constant 256 : i32
    %mul3A_4 = arith.muli %arg0, %mul3A_3 : i32
    %ge3A = arith.cmpi sge, %mul3A_4, %get3A_0 : i32
    %convert_element_type3A_5 = arith.extui %ge3A : i1 to i32
    %cond3A_6 = arith.constant 0 : i32
    %cond3A_7 = arith.cmpi ne, %convert_element_type3A_5, %cond3A_6 : i32
    scf.if %cond3A_7 {
      %broadcast_in_dim3A = arith.constant 0.000000e+00 : f32
      %broadcast_in_dim3A_8 = vector.broadcast %broadcast_in_dim3A : f32 to vector<256x768xf32>
      %swap3A = arith.constant 0 : index
      %swap3A_9 = arith.constant 0 : index
      %swap3A_10 = vector.load %arg6[%swap3A, %swap3A_9] : memref<256x768xf32, #tpu.memory_space<vmem>>, vector<256x768xf32>
      tpu.vector_store %arg6[%swap3A, %swap3A_9], %broadcast_in_dim3A_8 {strides = array<i32>} : memref<256x768xf32, #tpu.memory_space<vmem>>, vector<256x768xf32>,
    } else {
    }
    return
  }
  func.func @transform_0(%arg0: i32, %arg1: memref<16xi32, #tpu.memory_space<smem>>) -> (i32, i32) {
    %c0_i32 = arith.constant 0 : i32
    %c0_i32_0 = arith.constant 0 : i32
    return %arg0, %c0_i32 : i32, i32
  }
  func.func @transform_1(%arg0: i32, %arg1: memref<16xi32, #tpu.memory_space<smem>>) -> (i32, i32) {
    %c0_i32 = arith.constant 0 : i32
    %c0_i32_0 = arith.constant 0 : i32
    %c0_i32_1 = arith.constant 0 : i32
    return %c0_i32, %c0_i32_0 : i32, i32
  }
  func.func @transform_2(%arg0: i32, %arg1: memref<16xi32, #tpu.memory_space<smem>>) -> (i32, i32) {
    %c0_i32 = arith.constant 0 : i32
    %c0_i32_0 = arith.constant 0 : i32
    %c0_i32_1 = arith.constant 0 : i32
    return %c0_i32, %c0_i32_0 : i32, i32
  }
  func.func @transform_3(%arg0: i32, %arg1: memref<16xi32, #tpu.memory_space<smem>>) -> (i32, i32) {
    %c0_i32 = arith.constant 0 : i32
    %c0_i32_0 = arith.constant 0 : i32
    %c0_i32_1 = arith.constant 0 : i32
    return %c0_i32, %c0_i32_0 : i32, i32
  }
  func.func @transform_4(%arg0: i32, %arg1: memref<16xi32, #tpu.memory_space<smem>>) -> (i32, i32) {
    %c0_i32 = arith.constant 0 : i32
    %c0_i32_0 = arith.constant 0 : i32
    return %arg0, %c0_i32 : i32, i32
  }
}

</mosaic_0001>

<sc_bundles>
// kernel: kernel.11.cloned.1.call-start
scs
__scs_entry_jumppad:
0x0: {  	(pc) =	sbr.rel $0x88, $3  }
0x1: {  	(tag) =	ssettag $0x0;
	lr =	simm.s32 $0x1  }
0x2: {  	[smem:$0x3F9B] =	sst lr;
	_ =	strace $0xD0000000  }
0x3: {  	_ = 	snop  }
0x4: {  	_ = 	snop  }
0x5: {  	_ = 	snop  }
0x6: {  	_ = 	snop  }
0x7: {  	_ = 	snop  }
__scs_overlays_trampoline_lowered:
0x8: {  	[smem:$0x3FAA] =	sst s0  }
0x9: {  	[smem:$0x3FAB] =	sst s1  }
0xa: {  	[smem:$0x3FAC] =	sst s2  }
0xb: {  	[smem:$0x3FAD] =	sst s3  }
0xc: {  	[smem:$0x3FAE] =	sst s4  }
0xd: {  	[smem:$0x3FAF] =	sst s5  }
0xe: {  	[smem:$0x3FB0] =	sst s6  }
0xf: {  	[smem:$0x3FB1] =	sst s7  }
0x10: {  	[smem:$0x3FB2] =	sst s8  }
0x11: {  	[smem:$0x3FB3] =	sst s9;
	s0 =	simm.s32 @!p0 $0x0  }
0x12: {  	s1 =	sld [smem:$0x3F99];
	s0 =	simm.s32 @p0 $0x1  }
0x13: {  	[smem:$0x3FB4] =	sst s0;
	s0 =	simm.s32 @!p1 $0x0  }
0x14: {  	s2 =	sld [smem:$0x3F98];
	s0 =	simm.s32 @p1 $0x1  }
0x15: {  	[smem:$0x3FB5] =	sst s0;
	s0 =	simm.s32 @!p2 $0x0  }
0x16: {  	s3 =	sld [smem:$0x3FDB];
	s0 =	simm.s32 @p2 $0x1  }
0x17: {  	s4 =	simm.s32 $0x1BF5;
	[smem:$0x3FB7] =	sst s0  }
0x18: {  	s0 =	sld [smem:$0x3F9A];
	_ =	swait.ge [sflag:s4], $0x0  }
0x19: {  	s7 =	sld [smem:$0x3F9B]  }
0x1a: {  	s8 =	sadd.s32 $0xFFFFE003, lr  }
0x1b: {  	s9 =	sadd.s32 $0xFFFFFEF7, lr;
	s5 =	simm.s32 $0xFFFFFFFF;
	p2 =	slt.u32 s8, $0xFFFFF086  }
0x1c: {  	p1 =	slt.u32 s9, $0xF7A;
	s5 =	simm.s32 @!p2 $0x0  }
0x1d: {  	s5 =	simm.s32 @p1 $0x1;
	p0 =	seq.s32 s7, s2  }
0x1e: {  	s7 =	smul.u32 @!p0 $0xF7A, s2;
	p2 =	seq.s32 @!p0 s5, $0x0  }
0x1f: {  	s9 =	smul.u32 $0xF7A, s1;
	s8 =	simm.s32 @!p0 $0x1BF5;
	p2 =	por !p2, p0  }
0x20: {  	[sflag:s8] =	ssyncset.s32 @!p0 $0xFFFFF086;
	s6 =	sadd.s32 @!p0 s3, s7;
	s7 =	simm.s32 @!p0 $0x108  }
0x21: {  	s3 =	sadd.s32 s3, s9;
	s6 =	sadd.s32 @!p0 $0x88, s6;
	s7 =	simm.s32 @p2 $0x1082  }
0x22: {  	[simem:s7], [sflag:s8] =	dma.local @!p0 [hbm:s6], $0xF7A  }
0x23: {  	s9 =	sor.u32 $0xD0000000, s2;
	s6 =	simm.s32 $0x108;
	_ =	swait.ge @!p0 [sflag:s8], $0x0  }
0x24: {  	s3 =	sadd.s32 $0x88, s3;
	s6 =	simm.s32 @!p1 $0x1082;
	[sflag:s4] =	ssyncset.s32 $0xFFFFF086  }
0x25: {  	[simem:s6], [sflag:s4] =	dma.local [hbm:s3], $0xF7A  }
0x26: {  	[smem:$0x3F9B] =	sst s1;
	(tag) =	ssettag s2;
	_ =	strace s9  }
0x27: {  	s1 =	sld [smem:$0x3FAB]  }
0x28: {  	s2 =	sld [smem:$0x3FAC]  }
0x29: {  	s4 =	sld [smem:$0x3FAE]  }
0x2a: {  	p0 =	seq.s32 s5, $0x0;
	s5 =	sld [smem:$0x3FAF]  }
0x2b: {  	s6 =	sld [smem:$0x3FB0]  }
0x2c: {  	s7 =	sld [smem:$0x3FB1]  }
0x2d: {  	s3 =	simm.s32 $0x108;
	s8 =	sld [smem:$0x3FB2]  }
0x2e: {  	s3 =	simm.s32 @!p0 $0x1082;
	s9 =	sld [smem:$0x3FB3]  }
0x2f: {  	lr =	sadd.s32 s0, s3;
	s0 =	sld [smem:$0x3FAA]  }
0x30: {  	s3 =	sld [smem:$0x3FAD]  }
0x31: {  	[smem:$0x3FB6] =	sst s10  }
0x32: {  	s10 =	sld [smem:$0x3FB4];
	_ =	sdelay $0x3  }
0x33: {  	p0 =	seq.s32 s10, $0x1;
	s10 =	sld [smem:$0x3FB6];
	_ =	sdelay $0x3  }
0x34: {  	[smem:$0x3FB6] =	sst s10  }
0x35: {  	s10 =	sld [smem:$0x3FB5];
	_ =	sdelay $0x3  }
0x36: {  	p1 =	seq.s32 s10, $0x1;
	s10 =	sld [smem:$0x3FB6];
	_ =	sdelay $0x3  }
0x37: {  	[smem:$0x3FB6] =	sst s10  }
0x38: {  	s10 =	sld [smem:$0x3FB7]  }
0x39: {  	_ = 	snop;
	(pc) =	sbr.ind lr, $3  }
0x3a: {  	_ = 	snop  }
0x3b: {  	_ = 	snop  }
0x3c: {  	p2 =	seq.s32 s10, $0x1;
	s10 =	sld [smem:$0x3FB6]  }
0x3d: {  	_ =	shalt  }
0x3e: {  	_ =	shalt  }
0x3f: {  	_ =	shalt  }
0x40: {  	_ =	shalt  }
0x41: {  	_ =	shalt  }
0x42: {  	_ =	shalt  }
0x43: {  	_ =	shalt  }
0x44: {  	_ =	shalt  }
0x45: {  	_ =	shalt  }
0x46: {  	_ =	shalt  }
0x47: {  	_ =	shalt  }
0x48: {  	_ =	shalt  }
0x49: {  	_ =	shalt  }
0x4a: {  	_ =	shalt  }
0x4b: {  	_ =	shalt  }
0x4c: {  	_ =	shalt  }
0x4d: {  	_ =	shalt  }
0x4e: {  	_ =	shalt  }
0x4f: {  	_ =	shalt  }
0x50: {  	_ =	shalt  }
0x51: {  	_ =	shalt  }
0x52: {  	_ =	shalt  }
0x53: {  	_ =	shalt  }
0x54: {  	_ =	shalt  }
0x55: {  	_ =	shalt  }
0x56: {  	_ =	shalt  }
0x57: {  	_ =	shalt  }
0x58: {  	_ =	shalt  }
0x59: {  	_ =	shalt  }
0x5a: {  	_ =	shalt  }
0x5b: {  	_ =	shalt  }
0x5c: {  	_ =	shalt  }
0x5d: {  	_ =	shalt  }
0x5e: {  	_ =	shalt  }
0x5f: {  	_ =	shalt  }
0x60: {  	_ =	shalt  }
0x61: {  	_ =	shalt  }
0x62: {  	_ =	shalt  }
0x63: {  	_ =	shalt  }
0x64: {  	_ =	shalt  }
0x65: {  	_ =	shalt  }
0x66: {  	_ =	shalt  }
0x67: {  	_ =	shalt  }
0x68: {  	_ =	shalt  }
0x69: {  	_ =	shalt  }
0x6a: {  	_ =	shalt  }
0x6b: {  	_ =	shalt  }
0x6c: {  	_ =	shalt  }
0x6d: {  	_ =	shalt  }
0x6e: {  	_ =	shalt  }
0x6f: {  	_ =	shalt  }
0x70: {  	_ =	shalt  }
0x71: {  	_ =	shalt  }
0x72: {  	_ =	shalt  }
0x73: {  	_ =	shalt  }
0x74: {  	_ =	shalt  }
0x75: {  	_ =	shalt  }
0x76: {  	_ =	shalt  }
0x77: {  	_ =	shalt  }
0x78: {  	_ =	shalt  }
0x79: {  	_ =	shalt  }
0x7a: {  	_ =	shalt  }
0x7b: {  	_ =	shalt  }
0x7c: {  	_ =	shalt  }
0x7d: {  	_ =	shalt  }
0x7e: {  	_ =	shalt  }
0x7f: {  	_ =	shalt  }
0x80: {  	_ =	shalt  }
0x81: {  	_ =	shalt  }
0x82: {  	_ =	shalt  }
0x83: {  	_ =	shalt  }
0x84: {  	_ =	shalt  }
0x85: {  	_ =	shalt  }
0x86: {  	_ =	shalt  }
0x87: {  	_ =	shalt  }
.Lfunc_end0:
.L_simem_size_0:
called_computation.1_lowered:
.L_overlay_start_0:
0x88: {  	s2 =	sld [smem:$0x3FD9]  }
0x89: {  	s3 =	sld [smem:$0x3FFE];
	_ =	sdelay $0x1  }
0x8a: {  	s1 =	srdreg.scid  }
0x8b: {  	s0 =	sand.u32 $0x1, s1  }
0x8c: {  	s17 =	sshll.u32 s0, $0xA;
	s2 =	sadd.s32 s3, s2  }
0x8d: {  	s2 =	sadd.s32 s2, s17  }
0x8e: {  	[smem:$0x3FC2] =	sst s2  }
0x8f: {  	_ = 	snop  }
0x90: {  	s2 =	sld [smem:$0x3FD0];
	(tm) =	ssettm $0x1  }
0x91: {  	s18 =	sld [smem:$0x3FFB];
	_ =	sdelay $0x3  }
0x92: {  	_ =	strace s18  }
0x93: {  	s3 =	sld [smem:$0x3FFC];
	_ =	sdelay $0x3  }
0x94: {  	_ =	strace s3  }
0x95: {  	s3 =	sld [smem:$0x3FFD];
	_ =	sdelay $0x3  }
0x96: {  	_ =	strace s3  }
0x97: {  	_ =	strace $0x8FFFFFFF  }
0x98: {  	s19 =	sld [smem:$0x3FDB];
	_ =	sdelay $0x1  }
0x99: {  	s4 =	simm.s32 $_scs_section_size  }
0x9a: {  	s5 =	simm.s32 $_size__tile_overlayer_lowered;
	s6 =	simm.s32 $_tile_overlayer_lowered  }
0x9b: {  	s22 =	simm.s32 $0x1BFF;
	s21 =	sshll.u32 s6, $0x1;
	s3 =	sadd.s32 s4, s19  }
0x9c: {  	s7 =	simm.s32 $0x0;
	s20 =	sshll.u32 s5, $0x1;
	s5 =	sadd.s32 s21, s3  }
0x9d: {  	[timem:s7], [sflag:s22] =	dma.local [hbm:s5], s20  }
0x9e: {  	_ =	swait.ge [sflag:s22], s20  }
0x9f: {  	s4 =	ssub.s32 $0x0, s20;
	[sflag:s22] =	ssyncset.done $0x0  }
0xa0: {  	[sflag:s22] =	ssyncadd.s32 s4;
	_ =	sdelay $0x1  }
0xa1: {  	s23 =	simm.s32 $0x1B8B  }
0xa2: {  	_ =	swait.ge [sflag:s23], $0x1  }
0xa3: {  	[sflag:s23] =	ssyncset.done $0x0  }
0xa4: {  	s25 =	simm.s32 $0x1B8E;
	s24 =	sld [smem:$0x3FFE];
	[sflag:s23] =	ssyncadd.s32 $0xFFFFFFFF  }
0xa5: {  	s26 =	simm.s32 $execute0_lowered;
	[smem:$0x3FD2] =	sst s25  }
0xa6: {  	s5 =	sshll.u32 s26, $0x1;
	_ =	strace $0x80000049;
	[dreg:$0x1] =	wrdreg $0xFFFFFFFF  }
0xa7: {  	s28 =	simm.s32 $_size_execute0_lowered;
	s3 =	sadd.s32 s3, s5;
	[dreg:$0x0] =	wrdreg $0x0  }
0xa8: {  	s5 =	sshll.u32 s28, $0x1;
	[dreg:$0x2] =	wrdreg s3  }
0xa9: {  	[dreg:$0x3] =	wrdreg s5  }
0xaa: {  	[dreg:$0x4] =	wrdreg $0xC0  }
0xab: {  	_ =	task [dreg:s7], $0x5FFFF  }
0xac: {  	[dreg:$0x1] =	wrdreg $0xFFFFFFFF  }
0xad: {  	[dreg:$0x0] =	wrdreg $0x60  }
0xae: {  	[dreg:$0x2] =	wrdreg s24  }
0xaf: {  	[dreg:$0x3] =	wrdreg s2  }
0xb0: {  	[dreg:$0x4] =	wrdreg $0x9  }
0xb1: {  	_ =	task.clear_ibuf [dreg:s7], $0x5FFFF;
	_ =	strace $0x90000049  }
0xb2: {  	s29 =	simm.s32 $0x9;
	_ =	strace $0x8000004B  }
0xb3: {  	_ =	swait.ge [sflag:s29], $0x1  }
0xb4: {  	[sflag:s29] =	ssyncadd.s32 $0xFFFFFFFF  }
0xb5: {  	_ =	strace $0x9000004B  }
0xb6: {  	_ =	sfence  }
0xb7: {  	s30 =	sld [smem:$0x0];
	_ =	sdelay $0x2  }
0xb8: {  	s31 =	sshll.u32 s1, $0xD;
	s1 =	sshrl.u32 s1, $0x2  }
0xb9: {  	s3 =	sand.u32 $0x4000, s31;
	s1 =	sadd.s32 s1, s30  }
0xba: {  	s0 =	sor.u32 s3, s0;
	s1 =	sshll.u32 s1, $0x11  }
0xbb: {  	s0 =	sor.u32 s1, s0  }
0xbc: {  	s0 =	sadd.s32 $0x8F2B, s0  }
0xbd: {  	[sflag:s0] =	ssyncadd.remote.s32 $0x1  }
0xbe: {  	_ =	sfence.sel $0xFFFF  }
0xbf: {  	[dreg:$0x0] =	wrdreg $0xFFFFFFFF;
	(pc) =	sbr.abs _section_cstart, $3  }
0xc0: {  	[dreg:$0x1] =	wrdreg $0xFFFFFFFF  }
0xc1: {  	_ =	task.clear_ibuf [dreg:s7], $0x2FFFF;
	_ =	strace $0x9FFFFFFF  }
0xc2: {  	(tm) =	ssettm $0x7FFFFFFF  }
0xc3: {  	_ =	shalt  }
tec
execute0_lowered:
.L_overlay_start_1:
0x0: {  	(tag) =	ssettag $0x1  }
0x1: {  	s1 =	srdreg.scid  }
0x2: {  	s4 =	rddreg [dreg:$0x0];
	s0 =	stileid.u32  }
0x3: {  	s2 =	rddreg [dreg:$0x1];
	s3 =	simm.s32 $0x0;
	s8 =	simm.s32 $0x80  }
0x4: {  	s26 =	simm.s32 $0x880;
	s9 =	simm.s32 $0x1080;
	s10 =	simm.s32 $0x1880  }
0x5: {  	s11 =	simm.s32 $0x2080;
	s12 =	simm.s32 $0x2880;
	s13 =	simm.s32 $0x3080  }
0x6: {  	s14 =	simm.s32 $0x3880;
	s15 =	simm.s32 $0x4080;
	s16 =	simm.s32 $0x4880  }
0x7: {  	s17 =	simm.s32 $0x5080;
	s18 =	simm.s32 $0x5880;
	s19 =	simm.s32 $0x6080  }
0x8: {  	s20 =	simm.s32 $0x6880;
	s21 =	simm.s32 $0x7080;
	s22 =	simm.s32 $0x7880  }
0x9: {  	s23 =	simm.s32 $0x8080;
	s24 =	simm.s32 $0x8880;
	s28 =	simm.s32 $0xA080  }
0xa: {  	s29 =	simm.s32 $0xA880;
	s30 =	simm.s32 $0xB080;
	s31 =	simm.s32 $0xB880  }
0xb: {  	s1 =	sand.u32 $0x1, s1;
	s5 =	sshll.u32 s0, $0x4;
	[smem:$0x7FF] =	sst s3  }
0xc: {  	s6 =	sshll.u32 s1, $0x3;
	s1 =	ssub.s32 $0x2, s1;
	_ =	strace $0x8000004A  }
0xd: {  	[dreg:$0x5] =	wrdreg s26;
	s26 =	simm.s32 $0x9880;
	s5 =	sor.u32 s6, s5  }
0xe: {  	s7 =	sshrl.u32 s1, $0x1;
	s6 =	smul.u32 $0x300, s5;
	s5 =	sadd.s32 s5, s4  }
0xf: {  	s1 =	ssub.s32 s1, s7;
	s7 =	simm.s32 $0x2;
	s25 =	sadd.s32 $0x2E00, s5  }
0x10: {  	v2 =	vlaneseq.u32;
	s5 =	sadd.s32 $0x200, s2;
	s6 =	sadd.s32 s6, s4;
	[dreg:$0x3] =	wrdreg s25  }
0x11: {  	vm0 =	vmmov $0xffff;
	v1 =	vshrl.u32 v2, $0x3;
	s4 =	sadd.s32 $0x100, s2;
	s25 =	simm.s32 $0x9080;
	s6 =	sadd.s32 $0x3000, s6  }
0x12: {  	v0 =	vand.u32 $0x7, v2;
	v2 =	vor.u32 $0x8, v2;
	v1 =	vmul.u32 $0x8, v1;
	[dreg:$0x4] =	wrdreg s6;
	s6 =	smax.u32 s1, $0x1;
	s1 =	simm.s32 $0x1  }
.LBB2_1:
0x13: {  	s0 =	rddreg [dreg:$0x3]  }
0x14: {  	[tilespmem:s3], [sflag:$0x2] =	stream.linear.gather [hbm4b:s0+s3], $0x40, $0x38;
	[tilespmem:$0xC080] =	vst v63  }
0x15: {  	_ =	swait.ge [sflag:s7], $0x40  }
0x16: {  	[sflag:s7] =	ssyncset.done $0x0  }
0x17: {  	[sflag:s7] =	ssyncadd.s32 $0xFFFFFFC0  }
0x18: {  	v3 =	vld [tilespmem:$0x0];
	_ =	sdelay $0x4  }
0x19: {  	v4 =	vshrl.u32 v3, $0x3  }
0x1a: {  	v4 =	vmul.u32 $0x30, v4  }
0x1b: {  	v3 =	vand.u32 $0x7, v3  }
0x1c: {  	v3 =	vor.u32 v3, v4  }
0x1d: {  	v4 =	vperm.xlane v3, v0;
	_ =	sdelay $0x1  }
0x1e: {  	v4 =	vadd.s32 v1, v4;
	_ =	sdelay $0x3  }
0x1f: {  	v3 =	vperm.xlane v3, v2  }
0x20: {  	[tilespmem:s8], [sflag:$0x1] =	stream.indirect_vreg.gather [hbm4b:s2+s3], $0x80, v4, vm0, $0xb8;
	[tilespmem:$0xC080] =	vst v63  }
0x21: {  	s0 =	rddreg [dreg:$0x5];
	v3 =	vadd.s32 v1, v3  }
0x22: {  	[tilespmem:s0], [sflag:$0x1] =	stream.indirect_vreg.gather [hbm4b:s4+s3], $0x80, v4, vm0, $0xb8;
	[tilespmem:$0xC080] =	vst v63  }
0x23: {  	_ = 	snop  }
0x24: {  	[tilespmem:s9], [sflag:$0x1] =	stream.indirect_vreg.gather [hbm4b:s5+s3], $0x80, v4, vm0, $0xb8;
	[tilespmem:$0xC080] =	vst v63  }
0x25: {  	_ = 	snop  }
0x26: {  	[tilespmem:s10], [sflag:$0x1] =	stream.indirect_vreg.gather [hbm4b:s2+s3], $0x80, v3, vm0, $0xb8;
	[tilespmem:$0xC080] =	vst v63  }
0x27: {  	_ = 	snop  }
0x28: {  	[tilespmem:s11], [sflag:$0x1] =	stream.indirect_vreg.gather [hbm4b:s4+s3], $0x80, v3, vm0, $0xb8;
	[tilespmem:$0xC080] =	vst v63  }
0x29: {  	_ = 	snop  }
0x2a: {  	[tilespmem:s12], [sflag:$0x1] =	stream.indirect_vreg.gather [hbm4b:s5+s3], $0x80, v3, vm0, $0xb8;
	[tilespmem:$0xC080] =	vst v63  }
0x2b: {  	v3 =	vld [tilespmem:$0x10];
	_ =	sdelay $0x4  }
0x2c: {  	v61 =	vshrl.u32 v3, $0x3  }
0x2d: {  	v4 =	vmul.u32 $0x30, v61  }
0x2e: {  	v3 =	vand.u32 $0x7, v3  }
0x2f: {  	v3 =	vor.u32 v3, v4  }
0x30: {  	v4 =	vperm.xlane v3, v0;
	_ =	sdelay $0x1  }
0x31: {  	v4 =	vadd.s32 v1, v4;
	_ =	sdelay $0x3  }
0x32: {  	v3 =	vperm.xlane v3, v2  }
0x33: {  	[tilespmem:s13], [sflag:$0x1] =	stream.indirect_vreg.gather [hbm4b:s2+s3], $0x80, v4, vm0, $0xb8;
	[tilespmem:$0xC080] =	vst v63  }
0x34: {  	v3 =	vadd.s32 v1, v3  }
0x35: {  	[tilespmem:s14], [sflag:$0x1] =	stream.indirect_vreg.gather [hbm4b:s4+s3], $0x80, v4, vm0, $0xb8;
	[tilespmem:$0xC080] =	vst v63  }
0x36: {  	_ = 	snop  }
0x37: {  	[tilespmem:s15], [sflag:$0x1] =	stream.indirect_vreg.gather [hbm4b:s5+s3], $0x80, v4, vm0, $0xb8;
	[tilespmem:$0xC080] =	vst v63  }
0x38: {  	_ = 	snop  }
0x39: {  	[tilespmem:s16], [sflag:$0x1] =	stream.indirect_vreg.gather [hbm4b:s2+s3], $0x80, v3, vm0, $0xb8;
	[tilespmem:$0xC080] =	vst v63  }
0x3a: {  	_ = 	snop  }
0x3b: {  	[tilespmem:s17], [sflag:$0x1] =	stream.indirect_vreg.gather [hbm4b:s4+s3], $0x80, v3, vm0, $0xb8;
	[tilespmem:$0xC080] =	vst v63  }
0x3c: {  	_ = 	snop  }
0x3d: {  	[tilespmem:s18], [sflag:$0x1] =	stream.indirect_vreg.gather [hbm4b:s5+s3], $0x80, v3, vm0, $0xb8;
	[tilespmem:$0xC080] =	vst v63  }
0x3e: {  	v3 =	vld [tilespmem:$0x20];
	_ =	sdelay $0x4  }
0x3f: {  	v62 =	vshrl.u32 v3, $0x3  }
0x40: {  	v4 =	vmul.u32 $0x30, v62  }
0x41: {  	v3 =	vand.u32 $0x7, v3  }
0x42: {  	v3 =	vor.u32 v3, v4  }
0x43: {  	v4 =	vperm.xlane v3, v0;
	_ =	sdelay $0x1  }
0x44: {  	v4 =	vadd.s32 v1, v4;
	_ =	sdelay $0x3  }
0x45: {  	v3 =	vperm.xlane v3, v2  }
0x46: {  	[tilespmem:s19], [sflag:$0x1] =	stream.indirect_vreg.gather [hbm4b:s2+s3], $0x80, v4, vm0, $0xb8;
	[tilespmem:$0xC080] =	vst v63  }
0x47: {  	v3 =	vadd.s32 v1, v3  }
0x48: {  	[tilespmem:s20], [sflag:$0x1] =	stream.indirect_vreg.gather [hbm4b:s4+s3], $0x80, v4, vm0, $0xb8;
	[tilespmem:$0xC080] =	vst v63  }
0x49: {  	_ = 	snop  }
0x4a: {  	[tilespmem:s21], [sflag:$0x1] =	stream.indirect_vreg.gather [hbm4b:s5+s3], $0x80, v4, vm0, $0xb8;
	[tilespmem:$0xC080] =	vst v63  }
0x4b: {  	_ = 	snop  }
0x4c: {  	[tilespmem:s22], [sflag:$0x1] =	stream.indirect_vreg.gather [hbm4b:s2+s3], $0x80, v3, vm0, $0xb8;
	[tilespmem:$0xC080] =	vst v63  }
0x4d: {  	_ = 	snop  }
0x4e: {  	[tilespmem:s23], [sflag:$0x1] =	stream.indirect_vreg.gather [hbm4b:s4+s3], $0x80, v3, vm0, $0xb8;
	[tilespmem:$0xC080] =	vst v63  }
0x4f: {  	_ = 	snop  }
0x50: {  	[tilespmem:s24], [sflag:$0x1] =	stream.indirect_vreg.gather [hbm4b:s5+s3], $0x80, v3, vm0, $0xb8;
	[tilespmem:$0xC080] =	vst v63  }
0x51: {  	v3 =	vld [tilespmem:$0x30];
	_ =	sdelay $0x4  }
0x52: {  	v63 =	vshrl.u32 v3, $0x3  }
0x53: {  	v4 =	vmul.u32 $0x30, v63  }
0x54: {  	v3 =	vand.u32 $0x7, v3  }
0x55: {  	v3 =	vor.u32 v3, v4  }
0x56: {  	v4 =	vperm.xlane v3, v0;
	_ =	sdelay $0x1  }
0x57: {  	v4 =	vadd.s32 v1, v4;
	_ =	sdelay $0x3  }
0x58: {  	v3 =	vperm.xlane v3, v2  }
0x59: {  	[tilespmem:s25], [sflag:$0x1] =	stream.indirect_vreg.gather [hbm4b:s2+s3], $0x80, v4, vm0, $0xb8;
	[tilespmem:$0xC080] =	vst v63  }
0x5a: {  	v3 =	vadd.s32 v1, v3  }
0x5b: {  	[tilespmem:s26], [sflag:$0x1] =	stream.indirect_vreg.gather [hbm4b:s4+s3], $0x80, v4, vm0, $0xb8;
	[tilespmem:$0xC080] =	vst v63  }
0x5c: {  	_ = 	snop  }
0x5d: {  	[tilespmem:s28], [sflag:$0x1] =	stream.indirect_vreg.gather [hbm4b:s5+s3], $0x80, v4, vm0, $0xb8;
	[tilespmem:$0xC080] =	vst v63  }
0x5e: {  	_ = 	snop  }
0x5f: {  	[tilespmem:s29], [sflag:$0x1] =	stream.indirect_vreg.gather [hbm4b:s2+s3], $0x80, v3, vm0, $0xb8;
	[tilespmem:$0xC080] =	vst v63  }
0x60: {  	_ = 	snop  }
0x61: {  	[tilespmem:s30], [sflag:$0x1] =	stream.indirect_vreg.gather [hbm4b:s4+s3], $0x80, v3, vm0, $0xb8;
	[tilespmem:$0xC080] =	vst v63  }
0x62: {  	_ = 	snop  }
0x63: {  	[tilespmem:s31], [sflag:$0x1] =	stream.indirect_vreg.gather [hbm4b:s5+s3], $0x80, v3, vm0, $0xb8;
	[tilespmem:$0xC080] =	vst v63  }
0x64: {  	_ =	swait.ge [sflag:s1], $0xC000  }
0x65: {  	p0 =	sne.s32 s6, $0x1;
	[sflag:s1] =	ssyncset.done $0x0  }
.Ltmp0:
0x66: {  	s0 =	rddreg [dreg:$0x4];
	[sflag:s1] =	ssyncadd.s32 $0xFFFF4000;
	(pc) =	sbr.rel @p0 .LBB2_1-.Ltmp0, $4  }
0x67: {  	[hbm4b:s0+s3] =	stream.linear.scatter [tilespmem:s8], [sflag:$0x2], $0xC000, $0x38;
	[tilespmem:$0xC080] =	vst v63  }
0x68: {  	_ =	swait.ge [sflag:s7], $0xC000  }
0x69: {  	[sflag:s7] =	ssyncset.done $0x0  }
0x6a: {  	s6 =	sadd.s32 $0xFFFFFFFF, s6;
	[sflag:s7] =	ssyncadd.s32 $0xFFFF4000  }
0x6b: {  	_ =	sfence.sel $0x180000  }
0x6c: {  	[bflag:$0x0] =	sbarrier.arrive $0xFFFF  }
0x6d: {  	_ =	strace $0x9000004A  }
0x6e: {  	s0 =	stileid.u32;
	[bflag:$0x2] =	sbarrier.arrive $0xFFFF  }
0x6f: {  	p0 =	sne.s32 s0, $0x0;
	s0 =	rddreg [dreg:$0x2]  }
0x70: {  	s0 =	sadd.s32 @!p0 $0x100000, s0  }
0x71: {  	[sflag:s0] =	ssyncadd.tile.s32 @!p0 $0x1;
	_ =	shalt  }
.Lfunc_end2:
_tile_overlayer_lowered:
.L_overlay_start_2:
0x72: {  	(tag) =	ssettag $0x2  }
0x73: {  	s0 =	rddreg [dreg:$0x0];
	s2 =	stileid.u32  }
0x74: {  	s1 =	rddreg [dreg:$0x1];
	p0 =	sne.s32 s2, $0x0  }
0x75: {  	s3 =	rddreg [dreg:$0x2];
	[bflag:$0x3] =	sbarrier.arrive $0xFFFF;
	s2 =	simm.s32 @!p0 $0x1C02  }
0x76: {  	[timem:s3], [sflag:s2] =	dma.local @!p0 [hbm:s0], s1  }
0x77: {  	s0 =	simm.s32 @!p0 $0x2  }
0x78: {  	_ =	swait.ge @!p0 [sflag:s0], s1  }
0x79: {  	s1 =	ssub.s32 @!p0 $0x0, s1;
	[sflag:s0] =	ssyncset.done @!p0 $0x0  }
0x7a: {  	[sflag:s0] =	ssyncadd.s32 @!p0 s1  }
0x7b: {  	[bflag:$0x3] =	sbarrier.arrive $0xFFFF  }
0x7c: {  	_ =	shalt  }

// kernel: kernel.14.cloned.1.call-start
scs
__scs_entry_jumppad:
0x0: {  	(pc) =	sbr.rel $0x88, $3  }
0x1: {  	(tag) =	ssettag $0x0;
	lr =	simm.s32 $0x1  }
0x2: {  	[smem:$0x3F9B] =	sst lr;
	_ =	strace $0xD0000000  }
0x3: {  	_ = 	snop  }
0x4: {  	_ = 	snop  }
0x5: {  	_ = 	snop  }
0x6: {  	_ = 	snop  }
0x7: {  	_ = 	snop  }
__scs_overlays_trampoline_lowered:
0x8: {  	[smem:$0x3FAA] =	sst s0  }
0x9: {  	[smem:$0x3FAB] =	sst s1  }
0xa: {  	[smem:$0x3FAC] =	sst s2  }
0xb: {  	[smem:$0x3FAD] =	sst s3  }
0xc: {  	[smem:$0x3FAE] =	sst s4  }
0xd: {  	[smem:$0x3FAF] =	sst s5  }
0xe: {  	[smem:$0x3FB0] =	sst s6  }
0xf: {  	[smem:$0x3FB1] =	sst s7  }
0x10: {  	[smem:$0x3FB2] =	sst s8  }
0x11: {  	[smem:$0x3FB3] =	sst s9;
	s0 =	simm.s32 @!p0 $0x0  }
0x12: {  	s1 =	sld [smem:$0x3F99];
	s0 =	simm.s32 @p0 $0x1  }
0x13: {  	[smem:$0x3FB4] =	sst s0;
	s0 =	simm.s32 @!p1 $0x0  }
0x14: {  	s2 =	sld [smem:$0x3F98];
	s0 =	simm.s32 @p1 $0x1  }
0x15: {  	[smem:$0x3FB5] =	sst s0;
	s0 =	simm.s32 @!p2 $0x0  }
0x16: {  	s3 =	sld [smem:$0x3FDB];
	s0 =	simm.s32 @p2 $0x1  }
0x17: {  	s4 =	simm.s32 $0x1BF5;
	[smem:$0x3FB7] =	sst s0  }
0x18: {  	s0 =	sld [smem:$0x3F9A];
	_ =	swait.ge [sflag:s4], $0x0  }
0x19: {  	s7 =	sld [smem:$0x3F9B]  }
0x1a: {  	s8 =	sadd.s32 $0xFFFFE003, lr  }
0x1b: {  	s9 =	sadd.s32 $0xFFFFFEF7, lr;
	s5 =	simm.s32 $0xFFFFFFFF;
	p2 =	slt.u32 s8, $0xFFFFF086  }
0x1c: {  	p1 =	slt.u32 s9, $0xF7A;
	s5 =	simm.s32 @!p2 $0x0  }
0x1d: {  	s5 =	simm.s32 @p1 $0x1;
	p0 =	seq.s32 s7, s2  }
0x1e: {  	s7 =	smul.u32 @!p0 $0xF7A, s2;
	p2 =	seq.s32 @!p0 s5, $0x0  }
0x1f: {  	s9 =	smul.u32 $0xF7A, s1;
	s8 =	simm.s32 @!p0 $0x1BF5;
	p2 =	por !p2, p0  }
0x20: {  	[sflag:s8] =	ssyncset.s32 @!p0 $0xFFFFF086;
	s6 =	sadd.s32 @!p0 s3, s7;
	s7 =	simm.s32 @!p0 $0x108  }
0x21: {  	s3 =	sadd.s32 s3, s9;
	s6 =	sadd.s32 @!p0 $0x88, s6;
	s7 =	simm.s32 @p2 $0x1082  }
0x22: {  	[simem:s7], [sflag:s8] =	dma.local @!p0 [hbm:s6], $0xF7A  }
0x23: {  	s9 =	sor.u32 $0xD0000000, s2;
	s6 =	simm.s32 $0x108;
	_ =	swait.ge @!p0 [sflag:s8], $0x0  }
0x24: {  	s3 =	sadd.s32 $0x88, s3;
	s6 =	simm.s32 @!p1 $0x1082;
	[sflag:s4] =	ssyncset.s32 $0xFFFFF086  }
0x25: {  	[simem:s6], [sflag:s4] =	dma.local [hbm:s3], $0xF7A  }
0x26: {  	[smem:$0x3F9B] =	sst s1;
	(tag) =	ssettag s2;
	_ =	strace s9  }
0x27: {  	s1 =	sld [smem:$0x3FAB]  }
0x28: {  	s2 =	sld [smem:$0x3FAC]  }
0x29: {  	s4 =	sld [smem:$0x3FAE]  }
0x2a: {  	p0 =	seq.s32 s5, $0x0;
	s5 =	sld [smem:$0x3FAF]  }
0x2b: {  	s6 =	sld [smem:$0x3FB0]  }
0x2c: {  	s7 =	sld [smem:$0x3FB1]  }
0x2d: {  	s3 =	simm.s32 $0x108;
	s8 =	sld [smem:$0x3FB2]  }
0x2e: {  	s3 =	simm.s32 @!p0 $0x1082;
	s9 =	sld [smem:$0x3FB3]  }
0x2f: {  	lr =	sadd.s32 s0, s3;
	s0 =	sld [smem:$0x3FAA]  }
0x30: {  	s3 =	sld [smem:$0x3FAD]  }
0x31: {  	[smem:$0x3FB6] =	sst s10  }
0x32: {  	s10 =	sld [smem:$0x3FB4];
	_ =	sdelay $0x3  }
0x33: {  	p0 =	seq.s32 s10, $0x1;
	s10 =	sld [smem:$0x3FB6];
	_ =	sdelay $0x3  }
0x34: {  	[smem:$0x3FB6] =	sst s10  }
0x35: {  	s10 =	sld [smem:$0x3FB5];
	_ =	sdelay $0x3  }
0x36: {  	p1 =	seq.s32 s10, $0x1;
	s10 =	sld [smem:$0x3FB6];
	_ =	sdelay $0x3  }
0x37: {  	[smem:$0x3FB6] =	sst s10  }
0x38: {  	s10 =	sld [smem:$0x3FB7]  }
0x39: {  	_ = 	snop;
	(pc) =	sbr.ind lr, $3  }
0x3a: {  	_ = 	snop  }
0x3b: {  	_ = 	snop  }
0x3c: {  	p2 =	seq.s32 s10, $0x1;
	s10 =	sld [smem:$0x3FB6]  }
0x3d: {  	_ =	shalt  }
0x3e: {  	_ =	shalt  }
0x3f: {  	_ =	shalt  }
0x40: {  	_ =	shalt  }
0x41: {  	_ =	shalt  }
0x42: {  	_ =	shalt  }
0x43: {  	_ =	shalt  }
0x44: {  	_ =	shalt  }
0x45: {  	_ =	shalt  }
0x46: {  	_ =	shalt  }
0x47: {  	_ =	shalt  }
0x48: {  	_ =	shalt  }
0x49: {  	_ =	shalt  }
0x4a: {  	_ =	shalt  }
0x4b: {  	_ =	shalt  }
0x4c: {  	_ =	shalt  }
0x4d: {  	_ =	shalt  }
0x4e: {  	_ =	shalt  }
0x4f: {  	_ =	shalt  }
0x50: {  	_ =	shalt  }
0x51: {  	_ =	shalt  }
0x52: {  	_ =	shalt  }
0x53: {  	_ =	shalt  }
0x54: {  	_ =	shalt  }
0x55: {  	_ =	shalt  }
0x56: {  	_ =	shalt  }
0x57: {  	_ =	shalt  }
0x58: {  	_ =	shalt  }
0x59: {  	_ =	shalt  }
0x5a: {  	_ =	shalt  }
0x5b: {  	_ =	shalt  }
0x5c: {  	_ =	shalt  }
0x5d: {  	_ =	shalt  }
0x5e: {  	_ =	shalt  }
0x5f: {  	_ =	shalt  }
0x60: {  	_ =	shalt  }
0x61: {  	_ =	shalt  }
0x62: {  	_ =	shalt  }
0x63: {  	_ =	shalt  }
0x64: {  	_ =	shalt  }
0x65: {  	_ =	shalt  }
0x66: {  	_ =	shalt  }
0x67: {  	_ =	shalt  }
0x68: {  	_ =	shalt  }
0x69: {  	_ =	shalt  }
0x6a: {  	_ =	shalt  }
0x6b: {  	_ =	shalt  }
0x6c: {  	_ =	shalt  }
0x6d: {  	_ =	shalt  }
0x6e: {  	_ =	shalt  }
0x6f: {  	_ =	shalt  }
0x70: {  	_ =	shalt  }
0x71: {  	_ =	shalt  }
0x72: {  	_ =	shalt  }
0x73: {  	_ =	shalt  }
0x74: {  	_ =	shalt  }
0x75: {  	_ =	shalt  }
0x76: {  	_ =	shalt  }
0x77: {  	_ =	shalt  }
0x78: {  	_ =	shalt  }
0x79: {  	_ =	shalt  }
0x7a: {  	_ =	shalt  }
0x7b: {  	_ =	shalt  }
0x7c: {  	_ =	shalt  }
0x7d: {  	_ =	shalt  }
0x7e: {  	_ =	shalt  }
0x7f: {  	_ =	shalt  }
0x80: {  	_ =	shalt  }
0x81: {  	_ =	shalt  }
0x82: {  	_ =	shalt  }
0x83: {  	_ =	shalt  }
0x84: {  	_ =	shalt  }
0x85: {  	_ =	shalt  }
0x86: {  	_ =	shalt  }
0x87: {  	_ =	shalt  }
.Lfunc_end0:
.L_simem_size_0:
called_computation.2_lowered:
.L_overlay_start_0:
0x88: {  	s2 =	sld [smem:$0x3FD9]  }
0x89: {  	s3 =	sld [smem:$0x3FFE];
	_ =	sdelay $0x1  }
0x8a: {  	s1 =	srdreg.scid  }
0x8b: {  	s0 =	sand.u32 $0x1, s1  }
0x8c: {  	s17 =	sshll.u32 s0, $0xA;
	s2 =	sadd.s32 s3, s2  }
0x8d: {  	s2 =	sadd.s32 s2, s17  }
0x8e: {  	[smem:$0x3FC2] =	sst s2  }
0x8f: {  	_ = 	snop  }
0x90: {  	s2 =	sld [smem:$0x3FD0];
	(tm) =	ssettm $0x1  }
0x91: {  	s18 =	sld [smem:$0x3FFB];
	_ =	sdelay $0x3  }
0x92: {  	_ =	strace s18  }
0x93: {  	s3 =	sld [smem:$0x3FFC];
	_ =	sdelay $0x3  }
0x94: {  	_ =	strace s3  }
0x95: {  	s3 =	sld [smem:$0x3FFD];
	_ =	sdelay $0x3  }
0x96: {  	_ =	strace s3  }
0x97: {  	_ =	strace $0x8FFFFFFF  }
0x98: {  	s19 =	sld [smem:$0x3FDB];
	_ =	sdelay $0x1  }
0x99: {  	s4 =	simm.s32 $_scs_section_size  }
0x9a: {  	s5 =	simm.s32 $_size__tile_overlayer_lowered;
	s6 =	simm.s32 $_tile_overlayer_lowered  }
0x9b: {  	s22 =	simm.s32 $0x1BFF;
	s21 =	sshll.u32 s6, $0x1;
	s3 =	sadd.s32 s4, s19  }
0x9c: {  	s7 =	simm.s32 $0x0;
	s20 =	sshll.u32 s5, $0x1;
	s5 =	sadd.s32 s21, s3  }
0x9d: {  	[timem:s7], [sflag:s22] =	dma.local [hbm:s5], s20  }
0x9e: {  	_ =	swait.ge [sflag:s22], s20  }
0x9f: {  	s4 =	ssub.s32 $0x0, s20;
	[sflag:s22] =	ssyncset.done $0x0  }
0xa0: {  	[sflag:s22] =	ssyncadd.s32 s4;
	_ =	sdelay $0x1  }
0xa1: {  	s23 =	simm.s32 $0x1B8B  }
0xa2: {  	_ =	swait.ge [sflag:s23], $0x1  }
0xa3: {  	[sflag:s23] =	ssyncset.done $0x0  }
0xa4: {  	s25 =	simm.s32 $0x1B8E;
	s24 =	sld [smem:$0x3FFE];
	[sflag:s23] =	ssyncadd.s32 $0xFFFFFFFF  }
0xa5: {  	s26 =	simm.s32 $execute0_lowered;
	[smem:$0x3FD2] =	sst s25  }
0xa6: {  	s5 =	sshll.u32 s26, $0x1;
	_ =	strace $0x8000004C;
	[dreg:$0x1] =	wrdreg $0xFFFFFFFF  }
0xa7: {  	s28 =	simm.s32 $_size_execute0_lowered;
	s3 =	sadd.s32 s3, s5;
	[dreg:$0x0] =	wrdreg $0x0  }
0xa8: {  	s5 =	sshll.u32 s28, $0x1;
	[dreg:$0x2] =	wrdreg s3  }
0xa9: {  	[dreg:$0x3] =	wrdreg s5  }
0xaa: {  	[dreg:$0x4] =	wrdreg $0xC0  }
0xab: {  	_ =	task [dreg:s7], $0x5FFFF  }
0xac: {  	[dreg:$0x1] =	wrdreg $0xFFFFFFFF  }
0xad: {  	[dreg:$0x0] =	wrdreg $0x60  }
0xae: {  	[dreg:$0x2] =	wrdreg s24  }
0xaf: {  	[dreg:$0x3] =	wrdreg s2  }
0xb0: {  	[dreg:$0x4] =	wrdreg $0x9  }
0xb1: {  	_ =	task.clear_ibuf [dreg:s7], $0x5FFFF;
	_ =	strace $0x9000004C  }
0xb2: {  	s29 =	simm.s32 $0x9;
	_ =	strace $0x8000004E  }
0xb3: {  	_ =	swait.ge [sflag:s29], $0x1  }
0xb4: {  	[sflag:s29] =	ssyncadd.s32 $0xFFFFFFFF  }
0xb5: {  	_ =	strace $0x9000004E  }
0xb6: {  	_ =	sfence  }
0xb7: {  	s30 =	sld [smem:$0x0];
	_ =	sdelay $0x2  }
0xb8: {  	s31 =	sshll.u32 s1, $0xD;
	s1 =	sshrl.u32 s1, $0x2  }
0xb9: {  	s3 =	sand.u32 $0x4000, s31;
	s1 =	sadd.s32 s1, s30  }
0xba: {  	s0 =	sor.u32 s3, s0;
	s1 =	sshll.u32 s1, $0x11  }
0xbb: {  	s0 =	sor.u32 s1, s0  }
0xbc: {  	s0 =	sadd.s32 $0x8F2B, s0  }
0xbd: {  	[sflag:s0] =	ssyncadd.remote.s32 $0x1  }
0xbe: {  	_ =	sfence.sel $0xFFFF  }
0xbf: {  	[dreg:$0x0] =	wrdreg $0xFFFFFFFF;
	(pc) =	sbr.abs _section_cstart, $3  }
0xc0: {  	[dreg:$0x1] =	wrdreg $0xFFFFFFFF  }
0xc1: {  	_ =	task.clear_ibuf [dreg:s7], $0x2FFFF;
	_ =	strace $0x9FFFFFFF  }
0xc2: {  	(tm) =	ssettm $0x7FFFFFFF  }
0xc3: {  	_ =	shalt  }
tec
execute0_lowered:
.L_overlay_start_1:
0x0: {  	(tag) =	ssettag $0x1  }
0x1: {  	s1 =	srdreg.scid  }
0x2: {  	s4 =	rddreg [dreg:$0x0];
	s0 =	stileid.u32  }
0x3: {  	s2 =	rddreg [dreg:$0x1];
	s3 =	simm.s32 $0x0;
	s7 =	simm.s32 $0x2  }
0x4: {  	s8 =	simm.s32 $0x80;
	s26 =	simm.s32 $0x880;
	s9 =	simm.s32 $0x1080  }
0x5: {  	s10 =	simm.s32 $0x1880;
	s11 =	simm.s32 $0x2080;
	s12 =	simm.s32 $0x2880  }
0x6: {  	s13 =	simm.s32 $0x3080;
	s14 =	simm.s32 $0x3880;
	s15 =	simm.s32 $0x4080  }
0x7: {  	s16 =	simm.s32 $0x4880;
	s17 =	simm.s32 $0x5080;
	s18 =	simm.s32 $0x5880  }
0x8: {  	s19 =	simm.s32 $0x6080;
	s20 =	simm.s32 $0x6880;
	s21 =	simm.s32 $0x7080  }
0x9: {  	s22 =	simm.s32 $0x7880;
	s23 =	simm.s32 $0x8080;
	s24 =	simm.s32 $0x8880  }
0xa: {  	s28 =	simm.s32 $0xA080;
	s29 =	simm.s32 $0xA880;
	s30 =	simm.s32 $0xB080  }
0xb: {  	s31 =	simm.s32 $0xB880;
	s1 =	sand.u32 $0x1, s1;
	[smem:$0x7FF] =	sst s3  }
0xc: {  	s5 =	sshll.u32 s0, $0x4;
	s6 =	sshll.u32 s1, $0x3;
	_ =	strace $0x8000004D  }
0xd: {  	s1 =	ssub.s32 $0x2, s1;
	[dreg:$0x5] =	wrdreg s26;
	s5 =	sor.u32 s6, s5  }
0xe: {  	s25 =	sshrl.u32 s1, $0x1;
	s6 =	smul.u32 $0x300, s5;
	s5 =	sadd.s32 s5, s4  }
0xf: {  	s26 =	simm.s32 $0x9880;
	s1 =	ssub.s32 s1, s25;
	s5 =	sadd.s32 $0x2E00, s5  }
0x10: {  	v2 =	vlaneseq.u32;
	s25 =	simm.s32 $0x9080;
	s4 =	sadd.s32 s6, s4;
	[dreg:$0x3] =	wrdreg s5  }
0x11: {  	vm0 =	vmmov $0xffff;
	v1 =	vshrl.u32 v2, $0x3;
	s5 =	sadd.s32 $0x200, s2;
	s6 =	smax.u32 s1, $0x1;
	s4 =	sadd.s32 $0x3000, s4  }
0x12: {  	v0 =	vand.u32 $0x7, v2;
	v2 =	vor.u32 $0x8, v2;
	v1 =	vmul.u32 $0x8, v1;
	s1 =	simm.s32 $0x1;
	[dreg:$0x4] =	wrdreg s4;
	s4 =	sadd.s32 $0x100, s2  }
.LBB2_1:
0x13: {  	s0 =	rddreg [dreg:$0x3]  }
0x14: {  	[tilespmem:s3], [sflag:$0x2] =	stream.linear.gather [hbm4b:s0+s3], $0x40, $0x38;
	[tilespmem:$0xC080] =	vst v63  }
0x15: {  	_ =	swait.ge [sflag:s7], $0x40  }
0x16: {  	[sflag:s7] =	ssyncset.done $0x0  }
0x17: {  	s0 =	rddreg [dreg:$0x4];
	[sflag:s7] =	ssyncadd.s32 $0xFFFFFFC0  }
0x18: {  	[tilespmem:s8], [sflag:$0x2] =	stream.linear.gather [hbm4b:s0+s3], $0xC000, $0x38;
	[tilespmem:$0xC080] =	vst v63  }
0x19: {  	_ =	swait.ge [sflag:s7], $0xC000  }
0x1a: {  	[sflag:s7] =	ssyncset.done $0x0  }
0x1b: {  	[sflag:s7] =	ssyncadd.s32 $0xFFFF4000  }
0x1c: {  	v3 =	vld [tilespmem:$0x0];
	_ =	sdelay $0x4  }
0x1d: {  	v4 =	vshrl.u32 v3, $0x3  }
0x1e: {  	v4 =	vmul.u32 $0x30, v4  }
0x1f: {  	v3 =	vand.u32 $0x7, v3  }
0x20: {  	v3 =	vor.u32 v3, v4  }
0x21: {  	v4 =	vperm.xlane v3, v0;
	_ =	sdelay $0x1  }
0x22: {  	v4 =	vadd.s32 v1, v4;
	_ =	sdelay $0x3  }
0x23: {  	v3 =	vperm.xlane v3, v2  }
0x24: {  	[hbm4b:s2+s3] =	stream.indirect_vreg.scatter [tilespmem:s8], [sflag:$0x1], $0x80, v4, vm0, $0xb8;
	[tilespmem:$0xC080] =	vst v63  }
0x25: {  	s0 =	rddreg [dreg:$0x5];
	v3 =	vadd.s32 v1, v3  }
0x26: {  	[hbm4b:s4+s3] =	stream.indirect_vreg.scatter [tilespmem:s0], [sflag:$0x1], $0x80, v4, vm0, $0xb8;
	[tilespmem:$0xC080] =	vst v63  }
0x27: {  	_ = 	snop  }
0x28: {  	[hbm4b:s5+s3] =	stream.indirect_vreg.scatter [tilespmem:s9], [sflag:$0x1], $0x80, v4, vm0, $0xb8;
	[tilespmem:$0xC080] =	vst v63  }
0x29: {  	_ = 	snop  }
0x2a: {  	[hbm4b:s2+s3] =	stream.indirect_vreg.scatter [tilespmem:s10], [sflag:$0x1], $0x80, v3, vm0, $0xb8;
	[tilespmem:$0xC080] =	vst v63  }
0x2b: {  	_ = 	snop  }
0x2c: {  	[hbm4b:s4+s3] =	stream.indirect_vreg.scatter [tilespmem:s11], [sflag:$0x1], $0x80, v3, vm0, $0xb8;
	[tilespmem:$0xC080] =	vst v63  }
0x2d: {  	_ = 	snop  }
0x2e: {  	[hbm4b:s5+s3] =	stream.indirect_vreg.scatter [tilespmem:s12], [sflag:$0x1], $0x80, v3, vm0, $0xb8;
	[tilespmem:$0xC080] =	vst v63  }
0x2f: {  	v3 =	vld [tilespmem:$0x10];
	_ =	sdelay $0x4  }
0x30: {  	v61 =	vshrl.u32 v3, $0x3  }
0x31: {  	v4 =	vmul.u32 $0x30, v61  }
0x32: {  	v3 =	vand.u32 $0x7, v3  }
0x33: {  	v3 =	vor.u32 v3, v4  }
0x34: {  	v4 =	vperm.xlane v3, v0;
	_ =	sdelay $0x1  }
0x35: {  	v4 =	vadd.s32 v1, v4;
	_ =	sdelay $0x3  }
0x36: {  	v3 =	vperm.xlane v3, v2  }
0x37: {  	[hbm4b:s2+s3] =	stream.indirect_vreg.scatter [tilespmem:s13], [sflag:$0x1], $0x80, v4, vm0, $0xb8;
	[tilespmem:$0xC080] =	vst v63  }
0x38: {  	v3 =	vadd.s32 v1, v3  }
0x39: {  	[hbm4b:s4+s3] =	stream.indirect_vreg.scatter [tilespmem:s14], [sflag:$0x1], $0x80, v4, vm0, $0xb8;
	[tilespmem:$0xC080] =	vst v63  }
0x3a: {  	_ = 	snop  }
0x3b: {  	[hbm4b:s5+s3] =	stream.indirect_vreg.scatter [tilespmem:s15], [sflag:$0x1], $0x80, v4, vm0, $0xb8;
	[tilespmem:$0xC080] =	vst v63  }
0x3c: {  	_ = 	snop  }
0x3d: {  	[hbm4b:s2+s3] =	stream.indirect_vreg.scatter [tilespmem:s16], [sflag:$0x1], $0x80, v3, vm0, $0xb8;
	[tilespmem:$0xC080] =	vst v63  }
0x3e: {  	_ = 	snop  }
0x3f: {  	[hbm4b:s4+s3] =	stream.indirect_vreg.scatter [tilespmem:s17], [sflag:$0x1], $0x80, v3, vm0, $0xb8;
	[tilespmem:$0xC080] =	vst v63  }
0x40: {  	_ = 	snop  }
0x41: {  	[hbm4b:s5+s3] =	stream.indirect_vreg.scatter [tilespmem:s18], [sflag:$0x1], $0x80, v3, vm0, $0xb8;
	[tilespmem:$0xC080] =	vst v63  }
0x42: {  	v3 =	vld [tilespmem:$0x20];
	_ =	sdelay $0x4  }
0x43: {  	v62 =	vshrl.u32 v3, $0x3  }
0x44: {  	v4 =	vmul.u32 $0x30, v62  }
0x45: {  	v3 =	vand.u32 $0x7, v3  }
0x46: {  	v3 =	vor.u32 v3, v4  }
0x47: {  	v4 =	vperm.xlane v3, v0;
	_ =	sdelay $0x1  }
0x48: {  	v4 =	vadd.s32 v1, v4;
	_ =	sdelay $0x3  }
0x49: {  	v3 =	vperm.xlane v3, v2  }
0x4a: {  	[hbm4b:s2+s3] =	stream.indirect_vreg.scatter [tilespmem:s19], [sflag:$0x1], $0x80, v4, vm0, $0xb8;
	[tilespmem:$0xC080] =	vst v63  }
0x4b: {  	v3 =	vadd.s32 v1, v3  }
0x4c: {  	[hbm4b:s4+s3] =	stream.indirect_vreg.scatter [tilespmem:s20], [sflag:$0x1], $0x80, v4, vm0, $0xb8;
	[tilespmem:$0xC080] =	vst v63  }
0x4d: {  	_ = 	snop  }
0x4e: {  	[hbm4b:s5+s3] =	stream.indirect_vreg.scatter [tilespmem:s21], [sflag:$0x1], $0x80, v4, vm0, $0xb8;
	[tilespmem:$0xC080] =	vst v63  }
0x4f: {  	_ = 	snop  }
0x50: {  	[hbm4b:s2+s3] =	stream.indirect_vreg.scatter [tilespmem:s22], [sflag:$0x1], $0x80, v3, vm0, $0xb8;
	[tilespmem:$0xC080] =	vst v63  }
0x51: {  	_ = 	snop  }
0x52: {  	[hbm4b:s4+s3] =	stream.indirect_vreg.scatter [tilespmem:s23], [sflag:$0x1], $0x80, v3, vm0, $0xb8;
	[tilespmem:$0xC080] =	vst v63  }
0x53: {  	_ = 	snop  }
0x54: {  	[hbm4b:s5+s3] =	stream.indirect_vreg.scatter [tilespmem:s24], [sflag:$0x1], $0x80, v3, vm0, $0xb8;
	[tilespmem:$0xC080] =	vst v63  }
0x55: {  	v3 =	vld [tilespmem:$0x30];
	_ =	sdelay $0x4  }
0x56: {  	v63 =	vshrl.u32 v3, $0x3  }
0x57: {  	v4 =	vmul.u32 $0x30, v63  }
0x58: {  	v3 =	vand.u32 $0x7, v3  }
0x59: {  	v3 =	vor.u32 v3, v4  }
0x5a: {  	v4 =	vperm.xlane v3, v0;
	_ =	sdelay $0x1  }
0x5b: {  	v4 =	vadd.s32 v1, v4;
	_ =	sdelay $0x3  }
0x5c: {  	v3 =	vperm.xlane v3, v2  }
0x5d: {  	[hbm4b:s2+s3] =	stream.indirect_vreg.scatter [tilespmem:s25], [sflag:$0x1], $0x80, v4, vm0, $0xb8;
	[tilespmem:$0xC080] =	vst v63  }
0x5e: {  	v3 =	vadd.s32 v1, v3  }
0x5f: {  	[hbm4b:s4+s3] =	stream.indirect_vreg.scatter [tilespmem:s26], [sflag:$0x1], $0x80, v4, vm0, $0xb8;
	[tilespmem:$0xC080] =	vst v63  }
0x60: {  	_ = 	snop  }
0x61: {  	[hbm4b:s5+s3] =	stream.indirect_vreg.scatter [tilespmem:s28], [sflag:$0x1], $0x80, v4, vm0, $0xb8;
	[tilespmem:$0xC080] =	vst v63  }
0x62: {  	_ = 	snop  }
0x63: {  	[hbm4b:s2+s3] =	stream.indirect_vreg.scatter [tilespmem:s29], [sflag:$0x1], $0x80, v3, vm0, $0xb8;
	[tilespmem:$0xC080] =	vst v63  }
0x64: {  	p0 =	sne.s32 s6, $0x1  }
0x65: {  	[hbm4b:s4+s3] =	stream.indirect_vreg.scatter [tilespmem:s30], [sflag:$0x1], $0x80, v3, vm0, $0xb8;
	[tilespmem:$0xC080] =	vst v63  }
.Ltmp0:
0x66: {  	_ = 	snop;
	(pc) =	sbr.rel @p0 .LBB2_1-.Ltmp0, $4  }
0x67: {  	[hbm4b:s5+s3] =	stream.indirect_vreg.scatter [tilespmem:s31], [sflag:$0x1], $0x80, v3, vm0, $0xb8;
	[tilespmem:$0xC080] =	vst v63  }
0x68: {  	_ =	swait.ge [sflag:s1], $0xC000  }
0x69: {  	[sflag:s1] =	ssyncset.done $0x0  }
0x6a: {  	s6 =	sadd.s32 $0xFFFFFFFF, s6;
	[sflag:s1] =	ssyncadd.s32 $0xFFFF4000  }
0x6b: {  	_ =	sfence.sel $0x180000  }
0x6c: {  	[bflag:$0x0] =	sbarrier.arrive $0xFFFF  }
0x6d: {  	_ =	strace $0x9000004D  }
0x6e: {  	s0 =	stileid.u32;
	[bflag:$0x2] =	sbarrier.arrive $0xFFFF  }
0x6f: {  	p0 =	sne.s32 s0, $0x0;
	s0 =	rddreg [dreg:$0x2]  }
0x70: {  	s0 =	sadd.s32 @!p0 $0x100000, s0  }
0x71: {  	[sflag:s0] =	ssyncadd.tile.s32 @!p0 $0x1;
	_ =	shalt  }
.Lfunc_end2:
_tile_overlayer_lowered:
.L_overlay_start_2:
0x72: {  	(tag) =	ssettag $0x2  }
0x73: {  	s0 =	rddreg [dreg:$0x0];
	s2 =	stileid.u32  }
0x74: {  	s1 =	rddreg [dreg:$0x1];
	p0 =	sne.s32 s2, $0x0  }
0x75: {  	s3 =	rddreg [dreg:$0x2];
	[bflag:$0x3] =	sbarrier.arrive $0xFFFF;
	s2 =	simm.s32 @!p0 $0x1C02  }
0x76: {  	[timem:s3], [sflag:s2] =	dma.local @!p0 [hbm:s0], s1  }
0x77: {  	s0 =	simm.s32 @!p0 $0x2  }
0x78: {  	_ =	swait.ge @!p0 [sflag:s0], s1  }
0x79: {  	s1 =	ssub.s32 @!p0 $0x0, s1;
	[sflag:s0] =	ssyncset.done @!p0 $0x0  }
0x7a: {  	[sflag:s0] =	ssyncadd.s32 @!p0 s1  }
0x7b: {  	[bflag:$0x3] =	sbarrier.arrive $0xFFFF  }
0x7c: {  	_ =	shalt  }

// kernel: kernel.8.cloned.1.call-start
scs
__scs_entry_jumppad:
0x0: {  	(pc) =	sbr.rel $0x88, $3  }
0x1: {  	(tag) =	ssettag $0x0;
	lr =	simm.s32 $0x1  }
0x2: {  	[smem:$0x3F9B] =	sst lr;
	_ =	strace $0xD0000000  }
0x3: {  	_ = 	snop  }
0x4: {  	_ = 	snop  }
0x5: {  	_ = 	snop  }
0x6: {  	_ = 	snop  }
0x7: {  	_ = 	snop  }
__scs_overlays_trampoline_lowered:
0x8: {  	[smem:$0x3FAA] =	sst s0  }
0x9: {  	[smem:$0x3FAB] =	sst s1  }
0xa: {  	[smem:$0x3FAC] =	sst s2  }
0xb: {  	[smem:$0x3FAD] =	sst s3  }
0xc: {  	[smem:$0x3FAE] =	sst s4  }
0xd: {  	[smem:$0x3FAF] =	sst s5  }
0xe: {  	[smem:$0x3FB0] =	sst s6  }
0xf: {  	[smem:$0x3FB1] =	sst s7  }
0x10: {  	[smem:$0x3FB2] =	sst s8  }
0x11: {  	[smem:$0x3FB3] =	sst s9;
	s0 =	simm.s32 @!p0 $0x0  }
0x12: {  	s1 =	sld [smem:$0x3F99];
	s0 =	simm.s32 @p0 $0x1  }
0x13: {  	[smem:$0x3FB4] =	sst s0;
	s0 =	simm.s32 @!p1 $0x0  }
0x14: {  	s2 =	sld [smem:$0x3F98];
	s0 =	simm.s32 @p1 $0x1  }
0x15: {  	[smem:$0x3FB5] =	sst s0;
	s0 =	simm.s32 @!p2 $0x0  }
0x16: {  	s3 =	sld [smem:$0x3FDB];
	s0 =	simm.s32 @p2 $0x1  }
0x17: {  	s4 =	simm.s32 $0x1BF5;
	[smem:$0x3FB7] =	sst s0  }
0x18: {  	s0 =	sld [smem:$0x3F9A];
	_ =	swait.ge [sflag:s4], $0x0  }
0x19: {  	s7 =	sld [smem:$0x3F9B]  }
0x1a: {  	s8 =	sadd.s32 $0xFFFFE003, lr  }
0x1b: {  	s9 =	sadd.s32 $0xFFFFFEF7, lr;
	s5 =	simm.s32 $0xFFFFFFFF;
	p2 =	slt.u32 s8, $0xFFFFF086  }
0x1c: {  	p1 =	slt.u32 s9, $0xF7A;
	s5 =	simm.s32 @!p2 $0x0  }
0x1d: {  	s5 =	simm.s32 @p1 $0x1;
	p0 =	seq.s32 s7, s2  }
0x1e: {  	s7 =	smul.u32 @!p0 $0xF7A, s2;
	p2 =	seq.s32 @!p0 s5, $0x0  }
0x1f: {  	s9 =	smul.u32 $0xF7A, s1;
	s8 =	simm.s32 @!p0 $0x1BF5;
	p2 =	por !p2, p0  }
0x20: {  	[sflag:s8] =	ssyncset.s32 @!p0 $0xFFFFF086;
	s6 =	sadd.s32 @!p0 s3, s7;
	s7 =	simm.s32 @!p0 $0x108  }
0x21: {  	s3 =	sadd.s32 s3, s9;
	s6 =	sadd.s32 @!p0 $0x88, s6;
	s7 =	simm.s32 @p2 $0x1082  }
0x22: {  	[simem:s7], [sflag:s8] =	dma.local @!p0 [hbm:s6], $0xF7A  }
0x23: {  	s9 =	sor.u32 $0xD0000000, s2;
	s6 =	simm.s32 $0x108;
	_ =	swait.ge @!p0 [sflag:s8], $0x0  }
0x24: {  	s3 =	sadd.s32 $0x88, s3;
	s6 =	simm.s32 @!p1 $0x1082;
	[sflag:s4] =	ssyncset.s32 $0xFFFFF086  }
0x25: {  	[simem:s6], [sflag:s4] =	dma.local [hbm:s3], $0xF7A  }
0x26: {  	[smem:$0x3F9B] =	sst s1;
	(tag) =	ssettag s2;
	_ =	strace s9  }
0x27: {  	s1 =	sld [smem:$0x3FAB]  }
0x28: {  	s2 =	sld [smem:$0x3FAC]  }
0x29: {  	s4 =	sld [smem:$0x3FAE]  }
0x2a: {  	p0 =	seq.s32 s5, $0x0;
	s5 =	sld [smem:$0x3FAF]  }
0x2b: {  	s6 =	sld [smem:$0x3FB0]  }
0x2c: {  	s7 =	sld [smem:$0x3FB1]  }
0x2d: {  	s3 =	simm.s32 $0x108;
	s8 =	sld [smem:$0x3FB2]  }
0x2e: {  	s3 =	simm.s32 @!p0 $0x1082;
	s9 =	sld [smem:$0x3FB3]  }
0x2f: {  	lr =	sadd.s32 s0, s3;
	s0 =	sld [smem:$0x3FAA]  }
0x30: {  	s3 =	sld [smem:$0x3FAD]  }
0x31: {  	[smem:$0x3FB6] =	sst s10  }
0x32: {  	s10 =	sld [smem:$0x3FB4];
	_ =	sdelay $0x3  }
0x33: {  	p0 =	seq.s32 s10, $0x1;
	s10 =	sld [smem:$0x3FB6];
	_ =	sdelay $0x3  }
0x34: {  	[smem:$0x3FB6] =	sst s10  }
0x35: {  	s10 =	sld [smem:$0x3FB5];
	_ =	sdelay $0x3  }
0x36: {  	p1 =	seq.s32 s10, $0x1;
	s10 =	sld [smem:$0x3FB6];
	_ =	sdelay $0x3  }
0x37: {  	[smem:$0x3FB6] =	sst s10  }
0x38: {  	s10 =	sld [smem:$0x3FB7]  }
0x39: {  	_ = 	snop;
	(pc) =	sbr.ind lr, $3  }
0x3a: {  	_ = 	snop  }
0x3b: {  	_ = 	snop  }
0x3c: {  	p2 =	seq.s32 s10, $0x1;
	s10 =	sld [smem:$0x3FB6]  }
0x3d: {  	_ =	shalt  }
0x3e: {  	_ =	shalt  }
0x3f: {  	_ =	shalt  }
0x40: {  	_ =	shalt  }
0x41: {  	_ =	shalt  }
0x42: {  	_ =	shalt  }
0x43: {  	_ =	shalt  }
0x44: {  	_ =	shalt  }
0x45: {  	_ =	shalt  }
0x46: {  	_ =	shalt  }
0x47: {  	_ =	shalt  }
0x48: {  	_ =	shalt  }
0x49: {  	_ =	shalt  }
0x4a: {  	_ =	shalt  }
0x4b: {  	_ =	shalt  }
0x4c: {  	_ =	shalt  }
0x4d: {  	_ =	shalt  }
0x4e: {  	_ =	shalt  }
0x4f: {  	_ =	shalt  }
0x50: {  	_ =	shalt  }
0x51: {  	_ =	shalt  }
0x52: {  	_ =	shalt  }
0x53: {  	_ =	shalt  }
0x54: {  	_ =	shalt  }
0x55: {  	_ =	shalt  }
0x56: {  	_ =	shalt  }
0x57: {  	_ =	shalt  }
0x58: {  	_ =	shalt  }
0x59: {  	_ =	shalt  }
0x5a: {  	_ =	shalt  }
0x5b: {  	_ =	shalt  }
0x5c: {  	_ =	shalt  }
0x5d: {  	_ =	shalt  }
0x5e: {  	_ =	shalt  }
0x5f: {  	_ =	shalt  }
0x60: {  	_ =	shalt  }
0x61: {  	_ =	shalt  }
0x62: {  	_ =	shalt  }
0x63: {  	_ =	shalt  }
0x64: {  	_ =	shalt  }
0x65: {  	_ =	shalt  }
0x66: {  	_ =	shalt  }
0x67: {  	_ =	shalt  }
0x68: {  	_ =	shalt  }
0x69: {  	_ =	shalt  }
0x6a: {  	_ =	shalt  }
0x6b: {  	_ =	shalt  }
0x6c: {  	_ =	shalt  }
0x6d: {  	_ =	shalt  }
0x6e: {  	_ =	shalt  }
0x6f: {  	_ =	shalt  }
0x70: {  	_ =	shalt  }
0x71: {  	_ =	shalt  }
0x72: {  	_ =	shalt  }
0x73: {  	_ =	shalt  }
0x74: {  	_ =	shalt  }
0x75: {  	_ =	shalt  }
0x76: {  	_ =	shalt  }
0x77: {  	_ =	shalt  }
0x78: {  	_ =	shalt  }
0x79: {  	_ =	shalt  }
0x7a: {  	_ =	shalt  }
0x7b: {  	_ =	shalt  }
0x7c: {  	_ =	shalt  }
0x7d: {  	_ =	shalt  }
0x7e: {  	_ =	shalt  }
0x7f: {  	_ =	shalt  }
0x80: {  	_ =	shalt  }
0x81: {  	_ =	shalt  }
0x82: {  	_ =	shalt  }
0x83: {  	_ =	shalt  }
0x84: {  	_ =	shalt  }
0x85: {  	_ =	shalt  }
0x86: {  	_ =	shalt  }
0x87: {  	_ =	shalt  }
.Lfunc_end0:
.L_simem_size_0:
called_computation_lowered:
.L_overlay_start_0:
0x88: {  	s2 =	sld [smem:$0x3FD9]  }
0x89: {  	s3 =	sld [smem:$0x3FFE];
	_ =	sdelay $0x1  }
0x8a: {  	s1 =	srdreg.scid  }
0x8b: {  	s0 =	sand.u32 $0x1, s1  }
0x8c: {  	s16 =	sshll.u32 s0, $0xA;
	s2 =	sadd.s32 s3, s2  }
0x8d: {  	s2 =	sadd.s32 s2, s16  }
0x8e: {  	[smem:$0x3FC2] =	sst s2  }
0x8f: {  	_ = 	snop  }
0x90: {  	(tm) =	ssettm $0x1  }
0x91: {  	s17 =	sld [smem:$0x3FFB];
	_ =	sdelay $0x3  }
0x92: {  	_ =	strace s17  }
0x93: {  	s2 =	sld [smem:$0x3FFC];
	_ =	sdelay $0x3  }
0x94: {  	_ =	strace s2  }
0x95: {  	s2 =	sld [smem:$0x3FFD];
	_ =	sdelay $0x3  }
0x96: {  	_ =	strace s2  }
0x97: {  	_ =	strace $0x8FFFFFFF  }
0x98: {  	s18 =	sld [smem:$0x3FDB];
	_ =	sdelay $0x1  }
0x99: {  	s19 =	simm.s32 $_scs_section_size  }
0x9a: {  	s4 =	simm.s32 $_size__tile_overlayer_lowered;
	s5 =	simm.s32 $_tile_overlayer_lowered  }
0x9b: {  	s22 =	simm.s32 $0x1BFF;
	s21 =	sshll.u32 s5, $0x1;
	s2 =	sadd.s32 s19, s18  }
0x9c: {  	s6 =	simm.s32 $0x0;
	s20 =	sshll.u32 s4, $0x1;
	s4 =	sadd.s32 s21, s2  }
0x9d: {  	[timem:s6], [sflag:s22] =	dma.local [hbm:s4], s20  }
0x9e: {  	_ =	swait.ge [sflag:s22], s20  }
0x9f: {  	s3 =	ssub.s32 $0x0, s20;
	[sflag:s22] =	ssyncset.done $0x0  }
0xa0: {  	[sflag:s22] =	ssyncadd.s32 s3;
	_ =	sdelay $0x1  }
0xa1: {  	s23 =	simm.s32 $0x1B8B  }
0xa2: {  	_ =	swait.ge [sflag:s23], $0x1  }
0xa3: {  	[sflag:s23] =	ssyncset.done $0x0  }
0xa4: {  	s25 =	simm.s32 $0x1B8E;
	s24 =	sld [smem:$0x3FFE];
	[sflag:s23] =	ssyncadd.s32 $0xFFFFFFFF  }
0xa5: {  	s26 =	simm.s32 $execute0_lowered;
	[smem:$0x3FD2] =	sst s25  }
0xa6: {  	s4 =	sshll.u32 s26, $0x1;
	_ =	strace $0x80000046;
	[dreg:$0x1] =	wrdreg $0xFFFFFFFF  }
0xa7: {  	s28 =	simm.s32 $_size_execute0_lowered;
	s2 =	sadd.s32 s2, s4;
	[dreg:$0x0] =	wrdreg $0x0  }
0xa8: {  	s4 =	sshll.u32 s28, $0x1;
	[dreg:$0x2] =	wrdreg s2  }
0xa9: {  	[dreg:$0x3] =	wrdreg s4  }
0xaa: {  	[dreg:$0x4] =	wrdreg $0xC0  }
0xab: {  	_ =	task [dreg:s6], $0x5FFFF  }
0xac: {  	[dreg:$0x1] =	wrdreg $0xFFFFFFFF  }
0xad: {  	[dreg:$0x0] =	wrdreg $0x60  }
0xae: {  	[dreg:$0x2] =	wrdreg s24  }
0xaf: {  	[dreg:$0x3] =	wrdreg $0x9  }
0xb0: {  	_ =	task.clear_ibuf [dreg:s6], $0x4FFFF;
	_ =	strace $0x90000046  }
0xb1: {  	s29 =	simm.s32 $0x9;
	_ =	strace $0x80000048  }
0xb2: {  	_ =	swait.ge [sflag:s29], $0x1  }
0xb3: {  	[sflag:s29] =	ssyncadd.s32 $0xFFFFFFFF  }
0xb4: {  	_ =	strace $0x90000048  }
0xb5: {  	_ =	sfence  }
0xb6: {  	s30 =	sld [smem:$0x0];
	_ =	sdelay $0x2  }
0xb7: {  	s31 =	sshll.u32 s1, $0xD;
	s1 =	sshrl.u32 s1, $0x2  }
0xb8: {  	s3 =	sand.u32 $0x4000, s31;
	s1 =	sadd.s32 s1, s30  }
0xb9: {  	s0 =	sor.u32 s3, s0;
	s1 =	sshll.u32 s1, $0x11  }
0xba: {  	s0 =	sor.u32 s1, s0  }
0xbb: {  	s0 =	sadd.s32 $0x8F2B, s0  }
0xbc: {  	[sflag:s0] =	ssyncadd.remote.s32 $0x1  }
0xbd: {  	_ =	sfence.sel $0xFFFF  }
0xbe: {  	[dreg:$0x0] =	wrdreg $0xFFFFFFFF;
	(pc) =	sbr.abs _section_cstart, $3  }
0xbf: {  	[dreg:$0x1] =	wrdreg $0xFFFFFFFF  }
0xc0: {  	_ =	task.clear_ibuf [dreg:s6], $0x2FFFF;
	_ =	strace $0x9FFFFFFF  }
0xc1: {  	(tm) =	ssettm $0x7FFFFFFF  }
tec
execute0_lowered:
.L_overlay_start_1:
0x0: {  	(tag) =	ssettag $0x1  }
0x1: {  	s0 =	srdreg.scid  }
0x2: {  	s2 =	sand.u32 $0x1, s0;
	s0 =	stileid.u32  }
0x3: {  	s3 =	sshll.u32 s0, $0x1;
	s5 =	ssub.s32 $0x0, s2  }
0x4: {  	p0 =	sne.s32 s3, s5  }
.Ltmp0:
0x5: {  	_ = 	snop;
	(pc) =	sbr.rel @p0 .LBB2_5-.Ltmp0, $3  }
0x6: {  	_ =	sdelay $0x1  }
0x7: {  	s4 =	rddreg [dreg:$0x0]  }
0x8: {  	s1 =	rddreg [dreg:$0x1];
	_ =	strace $0x80000047  }
0x9: {  	s5 =	ssub.s32 $0x2, s2;
	s2 =	sadd.s32 $0x2A00, s4;
	s3 =	sadd.s32 $0x2E00, s4  }
0xa: {  	s4 =	sadd.s32 $0x2C00, s4;
	s7 =	simm.s32 $0x1;
	s6 =	sshrl.u32 s5, $0x1  }
0xb: {  	s8 =	simm.s32 $0x800;
	s9 =	simm.s32 $0x1080;
	s5 =	ssub.s32 s5, s6  }
0xc: {  	v0 =	vlaneseq.u32;
	s10 =	simm.s32 $0x0;
	s6 =	simm.s32 $0x0;
	s5 =	smax.u32 s5, $0x1  }
.LBB2_2:
0xd: {  	[tilespmem:s6], [sflag:$0x1] =	stream.linear.gather [hbm4b:s2+s6], $0x800, $0x38;
	[tilespmem:$0x1100] =	vst v63  }
0xe: {  	_ =	swait.ge [sflag:s7], $0x800  }
0xf: {  	[sflag:s7] =	ssyncset.done $0x0  }
0x10: {  	[sflag:s7] =	ssyncadd.s32 $0xFFFFF800  }
0x11: {  	v2 =	vld [tilespmem:s6+$0x0];
	_ =	sdelay $0x4  }
0x12: {  	(xrf0) =	vadd.scan.msk.s32 $0xffff, v2;
	_ =	sdelay $0x5  }
0x13: {  	v1, _, _ =	vpop (xrf0)  }
0x14: {  	(v2sf) =	vpush v1, $0xF;
	_ =	sdelay $0xe  }
0x15: {  	s11 =	spop (v2sf)  }
0x16: {  	s12 =	simm.s32 $0x10;
	vm0 =	vgt.s32 v2, $0x0;
	v1 =	vor.u32 s6, v0;
	s13 =	ssub.s32 $0x0, s11;
	s11 =	sadd.s32 $0x0, s11  }
0x17: {  	[tilespmem:s6+$0x800] =	vst.msk vm0, v1;
	vm0 =	vle.s32 v2, $0x0;
	s14 =	sadd.s32 $0x10, s13;
	s15 =	ssub.s32 $0xFF0, s13;
	s13 =	simm.s32 $0x0  }
.LBB2_3:
0x18: {  	p0 =	sne.s32 s12, $0x7F0  }
0x19: {  	[tilespmem:s15+$0x0] =	vst.msk vm0, v1;
	s13 =	sadd.s32 $0x10, s13;
	s15 =	smov.u32 s12;
	s12 =	sadd.s32 $0x10, s12  }
0x1a: {  	v2 =	vld [tilespmem:s13+$0x0];
	_ =	sdelay $0x4  }
0x1b: {  	v1 =	vor.u32 s15, v0;
	vm0 =	vgt.s32 v2, $0x0;
	(xrf0) =	vadd.scan.msk.s32 $0xffff, v2  }
0x1c: {  	[tilespmem:s11+$0x800] =	vst.msk vm0, v1;
	_ =	sdelay $0x4  }
0x1d: {  	v3, _, _ =	vpop (xrf0)  }
0x1e: {  	(v2sf) =	vpush v3, $0xF;
	_ =	sdelay $0xc  }
.Ltmp1:
0x1f: {  	(pc) =	sbr.rel @p0 .LBB2_3-.Ltmp1, $4  }
0x20: {  	_ = 	snop  }
0x21: {  	s15 =	spop (v2sf)  }
0x22: {  	s16 =	ssub.s32 s14, s15;
	s11 =	sadd.s32 s11, s15  }
0x23: {  	vm0 =	vle.s32 v2, $0x0;
	s14 =	sadd.s32 $0x10, s16;
	s15 =	ssub.s32 $0xFF0, s16  }
0x24: {  	[tilespmem:s15+$0x0] =	vst.msk vm0, v1  }
0x25: {  	[hbm4b:s3+s6] =	stream.linear.scatter [tilespmem:s8], [sflag:$0x1], $0x800, $0x38;
	[tilespmem:$0x1100] =	vst v63  }
0x26: {  	_ =	swait.ge [sflag:s7], $0x800  }
0x27: {  	s10 =	sadd.s32 $0x1, s10;
	[sflag:s7] =	ssyncset.done $0x0  }
0x28: {  	v1 =	vmov s11;
	p0 =	sne.s32 s10, s5;
	[sflag:s7] =	ssyncadd.s32 $0xFFFFF800  }
.Ltmp2:
0x29: {  	[tilespmem:$0x1080] =	vst v1;
	(pc) =	sbr.rel @p0 .LBB2_2-.Ltmp2, $4  }
0x2a: {  	[hbm4b:s4+s6] =	stream.linear.scatter [tilespmem:s9], [sflag:$0x1], $0x80, $0x38;
	[tilespmem:$0x1100] =	vst v63  }
0x2b: {  	_ =	swait.ge [sflag:s7], $0x80  }
0x2c: {  	[sflag:s7] =	ssyncset.done $0x0  }
0x2d: {  	[sflag:s7] =	ssyncadd.s32 $0xFFFFFF80  }
.LBB2_5:
0x2e: {  	_ =	sfence.sel $0x180000  }
0x2f: {  	[bflag:$0x0] =	sbarrier.arrive $0xFFFF  }
0x30: {  	p0 =	sne.s32 s0, $0x0;
	_ =	strace $0x90000047  }
0x31: {  	s0 =	sadd.s32 @!p0 $0x100000, s1;
	[bflag:$0x2] =	sbarrier.arrive $0xFFFF  }
0x32: {  	[sflag:s0] =	ssyncadd.tile.s32 @!p0 $0x1;
	_ =	shalt  }
.Lfunc_end2:
_tile_overlayer_lowered:
.L_overlay_start_2:
0x33: {  	(tag) =	ssettag $0x2  }
0x34: {  	s0 =	rddreg [dreg:$0x0];
	s2 =	stileid.u32  }
0x35: {  	s1 =	rddreg [dreg:$0x1];
	p0 =	sne.s32 s2, $0x0  }
0x36: {  	s3 =	rddreg [dreg:$0x2];
	[bflag:$0x3] =	sbarrier.arrive $0xFFFF;
	s2 =	simm.s32 @!p0 $0x1C01  }
0x37: {  	[timem:s3], [sflag:s2] =	dma.local @!p0 [hbm:s0], s1  }
0x38: {  	s0 =	simm.s32 @!p0 $0x1  }
0x39: {  	_ =	swait.ge @!p0 [sflag:s0], s1  }
0x3a: {  	s1 =	ssub.s32 @!p0 $0x0, s1;
	[sflag:s0] =	ssyncset.done @!p0 $0x0  }
0x3b: {  	[sflag:s0] =	ssyncadd.s32 @!p0 s1  }
0x3c: {  	[bflag:$0x3] =	sbarrier.arrive $0xFFFF  }
0x3d: {  	_ =	shalt  }

</sc_bundles>
